<compile_context>
chip_gen: v7x
topology: tpu7x:2x2x1
jax: 0.10.2.dev20260603
libtpu: 0.0.44.dev20260713+nightly
codegen_flags: <defaults>
</compile_context>

<pallas_src>
import functools

import jax
import jax.numpy as jnp
from jax import lax
from jax.experimental import pallas as pl
from jax.experimental.pallas import tpu as pltpu
from jax.experimental.pallas import tpu_sc as plsc

N_NODES = 10000
N_EDGES = 320000
D = 128
NC = 2
NS = 16
NW = NC * NS
XCH = 128
NCHUNK = N_EDGES // XCH
NX = NCHUNK - (NCHUNK // NW) * NW
EPT = (NCHUNK // NW) * XCH
IDXW = EPT + XCH
CH = 128
CPT = EPT // CH
ZT = 10
ZROWS = N_NODES // ZT

_mesh = plsc.VectorSubcoreMesh(core_axis_name="c", subcore_axis_name="s")


@functools.partial(
    pl.kernel,
    out_type=jax.ShapeDtypeStruct((NC, N_NODES, D), jnp.float32),
    mesh=_mesh,
    scratch_types=[
        pltpu.VMEM((IDXW,), jnp.int32),
        pltpu.VMEM((2, CH, D), jnp.float32),
        pltpu.VMEM((16, D), jnp.float32),
        pltpu.VMEM_SHARED((N_NODES, D), jnp.float32),
        pltpu.SemaphoreType.DMA,
        pltpu.SemaphoreType.DMA,
    ],
)
def _scatter_sc(ei_hbm, ea_hbm, out_hbm,
                idx_v, ebuf, zbuf, agg_s, rs0, rs1):
    cid = lax.axis_index("c")
    sid = lax.axis_index("s")
    wid = sid * NC + cid
    ebase = wid * EPT

    pltpu.async_copy(ei_hbm.at[0, pl.ds(ebase, EPT)],
                     idx_v.at[pl.ds(0, EPT)], rs1)
    z16 = jnp.zeros((16,), jnp.float32)
    for i in range(16):
        zrow = zbuf.at[i]
        for k in range(D // 16):
            zrow[pl.ds(16 * k, 16)] = z16

    @pl.when(sid < ZT)
    def _():
        def zstep(i, carry):
            pltpu.async_copy(zbuf,
                             agg_s.at[pl.ds(sid * ZROWS + 16 * i, 16)], rs0)
            return carry

        lax.fori_loop(0, ZROWS // 16, zstep, 0)
        zrem = ZROWS - (ZROWS // 16) * 16
        if zrem:
            pltpu.async_copy(
                zbuf.at[pl.ds(0, zrem)],
                agg_s.at[pl.ds(sid * ZROWS + ZROWS - zrem, zrem)], rs0)

        def zdrain(i, carry):
            pltpu.make_async_copy(
                zbuf, agg_s.at[pl.ds(sid * ZROWS, 16)], rs0).wait()
            return carry

        lax.fori_loop(0, ZROWS // 16, zdrain, 0)
        if zrem:
            pltpu.make_async_copy(
                zbuf.at[pl.ds(0, zrem)],
                agg_s.at[pl.ds(sid * ZROWS, zrem)], rs0).wait()

    pltpu.make_async_copy(ei_hbm.at[0, pl.ds(ebase, EPT)],
                          idx_v.at[pl.ds(0, EPT)], rs1).wait()

    @pl.when(wid < NX)
    def _():
        pltpu.sync_copy(ei_hbm.at[0, pl.ds(NW * EPT + wid * XCH, XCH)],
                        idx_v.at[pl.ds(EPT, XCH)])

    plsc.subcore_barrier()

    buf0 = ebuf.at[0]
    buf1 = ebuf.at[1]
    pltpu.async_copy(ea_hbm.at[pl.ds(ebase, CH)], buf0, rs0)

    def step(i, carry):
        j0 = 2 * i
        j1 = 2 * i + 1
        pltpu.async_copy(ea_hbm.at[pl.ds(ebase + j1 * CH, CH)], buf1, rs1)
        pltpu.make_async_copy(ea_hbm.at[pl.ds(ebase, CH)], buf0, rs0).wait()
        pltpu.sync_copy(buf0, agg_s.at[idx_v.at[pl.ds(j0 * CH, CH)]],
                        add=True)
        j2 = jnp.minimum(j0 + 2, CPT - 1)
        pltpu.async_copy(ea_hbm.at[pl.ds(ebase + j2 * CH, CH)], buf0, rs0)
        pltpu.make_async_copy(ea_hbm.at[pl.ds(ebase, CH)], buf1, rs1).wait()
        pltpu.sync_copy(buf1, agg_s.at[idx_v.at[pl.ds(j1 * CH, CH)]],
                        add=True)
        return carry

    lax.fori_loop(0, CPT // 2, step, 0)
    pltpu.make_async_copy(ea_hbm.at[pl.ds(ebase, CH)], buf0, rs0).wait()

    @pl.when(wid < NX)
    def _():
        pltpu.sync_copy(ea_hbm.at[pl.ds(NW * EPT + wid * XCH, XCH)], buf0)
        pltpu.sync_copy(buf0, agg_s.at[idx_v.at[pl.ds(EPT, XCH)]], add=True)

    plsc.subcore_barrier()

    @pl.when(sid < ZT)
    def _():
        pltpu.sync_copy(agg_s.at[pl.ds(sid * ZROWS, ZROWS)],
                        out_hbm.at[cid, pl.ds(sid * ZROWS, ZROWS)])


BN = 5000


def _mlp_a_body(x_ref, w1x_ref, b1_ref, t_ref):
    t_ref[...] = (jnp.dot(x_ref[...], w1x_ref[...],
                          preferred_element_type=jnp.float32) + b1_ref[...])


def _mlp_a(x, w1x, b1):
    return pl.pallas_call(
        _mlp_a_body,
        grid=(N_NODES // BN,),
        in_specs=[
            pl.BlockSpec((BN, D), lambda i: (i, 0)),
            pl.BlockSpec((D, D), lambda i: (0, 0)),
            pl.BlockSpec((1, D), lambda i: (0, 0)),
        ],
        out_specs=pl.BlockSpec((BN, D), lambda i: (i, 0)),
        out_shape=jax.ShapeDtypeStruct((N_NODES, D), jnp.float32),
    )(x, w1x, b1)


def _mlp_b_body(t_ref, p_ref, w1a_ref, w2_ref, b2_ref, o_ref):
    agg = p_ref[0] + p_ref[1]
    h = t_ref[...] + jnp.dot(agg, w1a_ref[...],
                             preferred_element_type=jnp.float32)
    h = jnp.maximum(h, 0.0)
    o_ref[...] = (jnp.dot(h, w2_ref[...], preferred_element_type=jnp.float32)
                  + b2_ref[...])


def _mlp_b(t, parts, w1a, w2, b2):
    return pl.pallas_call(
        _mlp_b_body,
        grid=(N_NODES // BN,),
        in_specs=[
            pl.BlockSpec((BN, D), lambda i: (i, 0)),
            pl.BlockSpec((NC, BN, D), lambda i: (0, i, 0)),
            pl.BlockSpec((D, D), lambda i: (0, 0)),
            pl.BlockSpec((D, D), lambda i: (0, 0)),
            pl.BlockSpec((1, D), lambda i: (0, 0)),
        ],
        out_specs=pl.BlockSpec((BN, D), lambda i: (i, 0)),
        out_shape=jax.ShapeDtypeStruct((N_NODES, D), jnp.float32),
    )(t, parts, w1a, w2, b2)


def kernel(x, edge_index, edge_attr, u, batch, W1, b1, W2, b2):
    parts = _scatter_sc(edge_index.astype(jnp.int32), edge_attr)
    w1T = W1.T
    t = _mlp_a(x, w1T[:D], b1.reshape(1, D))
    return _mlp_b(t, parts, w1T[D:], W2.T, b2.reshape(1, D))

# --- scband reference (transcript-rebuilt; emitter-appended) ---
"""Pipeline reference for scband-node-model-50371376447827 (READ-ONLY COPY).

The authoritative reference and input builder live on the scoring server;
editing this copy changes nothing except your own understanding.
"""

import jax, jax.numpy as jnp
import numpy as np

N_NODES = 10000
N_EDGES = 320000
D_FEAT = 128
HIDDEN = 128
D_OUT = 128


def setup_inputs(seed: int = 0) -> dict:
    key = jax.random.key(seed)
    k_x, k_ei, k_ea, k_u, k_w1, k_b1, k_w2, k_b2 = jax.random.split(key, 8)
    x = jax.random.normal(k_x, (N_NODES, D_FEAT), dtype=jnp.float32)
    edge_index = jax.random.randint(k_ei, (2, N_EDGES), 0, N_NODES, dtype=jnp.int64)
    edge_attr = jax.random.normal(k_ea, (N_EDGES, D_FEAT), dtype=jnp.float32)
    u = jax.random.normal(k_u, (1, D_FEAT), dtype=jnp.float32)
    batch = jnp.zeros((N_NODES,), dtype=jnp.int64)
    in_dim = D_FEAT + D_FEAT  # node_in_dim + edge_out_dim
    lim1 = 1.0 / np.sqrt(in_dim)
    W1 = jax.random.uniform(k_w1, (HIDDEN, in_dim), minval=-lim1, maxval=lim1, dtype=jnp.float32)
    b1 = jax.random.uniform(k_b1, (HIDDEN,), minval=-lim1, maxval=lim1, dtype=jnp.float32)
    lim2 = 1.0 / np.sqrt(HIDDEN)
    W2 = jax.random.uniform(k_w2, (D_OUT, HIDDEN), minval=-lim2, maxval=lim2, dtype=jnp.float32)
    b2 = jax.random.uniform(k_b2, (D_OUT,), minval=-lim2, maxval=lim2, dtype=jnp.float32)
    return {"x": x, "edge_index": edge_index, "edge_attr": edge_attr, "u": u, "batch": batch,
            "W1": W1, "b1": b1, "W2": W2, "b2": b2}


def reference(x, edge_index, edge_attr, u, batch, W1, b1, W2, b2):
    row = edge_index[0]
    # agg = torch.zeros_like(x).index_add(0, row, edge_attr)
    agg = jnp.zeros_like(x).at[row].add(edge_attr)
    out = jnp.concatenate([x, agg], axis=1)
    h = out @ W1.T + b1
    h = jnp.maximum(h, 0.0)
    return h @ W2.T + b2

if __name__ == "__main__":
    import jax
    _d = setup_inputs()
    print(jax.jit(kernel)(*tuple(_d.values())))

</pallas_src>

<mosaic_0001>
#map = affine_map<(d0, d1) -> (0, 0)>
#map1 = affine_map<(d0, d1) -> (0, 0, 0)>
module attributes {stable_mosaic.version = 14 : i64} {
  func.func @_scatter_sc(%arg0: i32, %arg1: i32, %arg2: memref<2x320000xi32, #tpu.memory_space<hbm>>, %arg3: memref<320000x128xf32, #tpu.memory_space<hbm>>, %arg4: memref<2x10000x128xf32, #tpu.memory_space<hbm>>, %arg5: memref<10112xi32, #tpu.memory_space<vmem>>, %arg6: memref<2x128x128xf32, #tpu.memory_space<vmem>>, %arg7: memref<16x128xf32, #tpu.memory_space<vmem>>, %arg8: memref<10000x128xf32, #tpu.memory_space<vmem_shared>>, %arg9: memref<!tpu.dma_semaphore, #tpu.memory_space<semaphore_mem>>, %arg10: memref<!tpu.dma_semaphore, #tpu.memory_space<semaphore_mem>>) attributes {dimension_semantics = [#tpu.dimension_semantics<core_parallel>, #tpu.dimension_semantics<subcore_parallel>], iteration_bounds = array<i64: 2, 16>, scalar_prefetch = 0 : i64, scratch_operands = 6 : i64, tpu.core_type = #tpu.core_type<sc_vector_subcore>, window_params = [{transform_indices = #map}, {transform_indices = #map}, {transform_indices = #map1}]} {
    %mul3A = arith.constant 2 : i32
    %mul3A_0 = arith.muli %arg1, %mul3A : i32
    %add3A = arith.addi %mul3A_0, %arg0 : i32
    %mul3A_1 = arith.constant 9984 : i32
    %mul3A_2 = arith.muli %add3A, %mul3A_1 : i32
    %dma_start3A = arith.constant 0 : i32
    %dma_start3A_3 = arith.constant 0 : i32
    %dma_start3A_4 = tpu.memref_slice %arg5[%dma_start3A_3] : memref<10112xi32, #tpu.memory_space<vmem>> -> memref<9984xi32, #tpu.memory_space<vmem>>
    %dma_start3A_5 = tpu.memref_slice %arg2[%dma_start3A, %mul3A_2] : memref<2x320000xi32, #tpu.memory_space<hbm>> -> memref<1x9984xi32, #tpu.memory_space<hbm>>
    %dma_start3A_6 = tpu.memref_squeeze %dma_start3A_5 : memref<1x9984xi32, #tpu.memory_space<hbm>> -> memref<9984xi32, #tpu.memory_space<hbm>>
    %dma_start3A_7 = arith.constant 0 : i32
    %dma_start3A_8 = tpu.memref_slice %arg5[%dma_start3A_7] : memref<10112xi32, #tpu.memory_space<vmem>> -> memref<9984xi32, #tpu.memory_space<vmem>>
    %dma_start3A_9 = tpu.memref_slice %arg2[%dma_start3A, %mul3A_2] : memref<2x320000xi32, #tpu.memory_space<hbm>> -> memref<1x9984xi32, #tpu.memory_space<hbm>>
    %dma_start3A_10 = tpu.memref_squeeze %dma_start3A_9 : memref<1x9984xi32, #tpu.memory_space<hbm>> -> memref<9984xi32, #tpu.memory_space<hbm>>
    tpu.enqueue_dma source(%dma_start3A_10 : memref<9984xi32, #tpu.memory_space<hbm>>) target(%dma_start3A_8 : memref<9984xi32, #tpu.memory_space<vmem>>) target_semaphore(%arg10 : memref<!tpu.dma_semaphore, #tpu.memory_space<semaphore_mem>>)
    %broadcast_in_dim3A = arith.constant 0.000000e+00 : f32
    %broadcast_in_dim3A_11 = vector.broadcast %broadcast_in_dim3A : f32 to vector<16xf32>
    %swap3A = arith.constant 0 : i32
    %swap3A_12 = arith.constant 0 : i32
    %swap3A_13 = tpu.memref_slice %arg7[%swap3A, %swap3A_12] : memref<16x128xf32, #tpu.memory_space<vmem>> -> memref<1x128xf32, #tpu.memory_space<vmem>>
    %swap3A_14 = tpu.memref_squeeze %swap3A_13 : memref<1x128xf32, #tpu.memory_space<vmem>> -> memref<128xf32, #tpu.memory_space<vmem>>
    %swap3A_15 = arith.constant 0 : index
    %swap3A_16 = tpu.vector_load %swap3A_14[%swap3A_15] {strides = array<i32>} : memref<128xf32, #tpu.memory_space<vmem>>, vector<16xf32>,
    %swap3A_17 = vector.shape_cast %swap3A_16 : vector<16xf32> to vector<16xf32>
    %swap3A_18 = vector.shape_cast %broadcast_in_dim3A_11 : vector<16xf32> to vector<16xf32>
    tpu.vector_store %swap3A_14[%swap3A_15], %swap3A_18 {strides = array<i32>} : memref<128xf32, #tpu.memory_space<vmem>>, vector<16xf32>,
    %swap3A_19 = arith.constant 0 : i32
    %swap3A_20 = arith.constant 0 : i32
    %swap3A_21 = tpu.memref_slice %arg7[%swap3A_19, %swap3A_20] : memref<16x128xf32, #tpu.memory_space<vmem>> -> memref<1x128xf32, #tpu.memory_space<vmem>>
    %swap3A_22 = tpu.memref_squeeze %swap3A_21 : memref<1x128xf32, #tpu.memory_space<vmem>> -> memref<128xf32, #tpu.memory_space<vmem>>
    %swap3A_23 = arith.constant 16 : index
    %swap3A_24 = tpu.vector_load %swap3A_22[%swap3A_23] {strides = array<i32>} : memref<128xf32, #tpu.memory_space<vmem>>, vector<16xf32>,
    %swap3A_25 = vector.shape_cast %swap3A_24 : vector<16xf32> to vector<16xf32>
    %swap3A_26 = vector.shape_cast %broadcast_in_dim3A_11 : vector<16xf32> to vector<16xf32>
    tpu.vector_store %swap3A_22[%swap3A_23], %swap3A_26 {strides = array<i32>} : memref<128xf32, #tpu.memory_space<vmem>>, vector<16xf32>,
    %swap3A_27 = arith.constant 0 : i32
    %swap3A_28 = arith.constant 0 : i32
    %swap3A_29 = tpu.memref_slice %arg7[%swap3A_27, %swap3A_28] : memref<16x128xf32, #tpu.memory_space<vmem>> -> memref<1x128xf32, #tpu.memory_space<vmem>>
    %swap3A_30 = tpu.memref_squeeze %swap3A_29 : memref<1x128xf32, #tpu.memory_space<vmem>> -> memref<128xf32, #tpu.memory_space<vmem>>
    %swap3A_31 = arith.constant 32 : index
    %swap3A_32 = tpu.vector_load %swap3A_30[%swap3A_31] {strides = array<i32>} : memref<128xf32, #tpu.memory_space<vmem>>, vector<16xf32>,
    %swap3A_33 = vector.shape_cast %swap3A_32 : vector<16xf32> to vector<16xf32>
    %swap3A_34 = vector.shape_cast %broadcast_in_dim3A_11 : vector<16xf32> to vector<16xf32>
    tpu.vector_store %swap3A_30[%swap3A_31], %swap3A_34 {strides = array<i32>} : memref<128xf32, #tpu.memory_space<vmem>>, vector<16xf32>,
    %swap3A_35 = arith.constant 0 : i32
    %swap3A_36 = arith.constant 0 : i32
    %swap3A_37 = tpu.memref_slice %arg7[%swap3A_35, %swap3A_36] : memref<16x128xf32, #tpu.memory_space<vmem>> -> memref<1x128xf32, #tpu.memory_space<vmem>>
    %swap3A_38 = tpu.memref_squeeze %swap3A_37 : memref<1x128xf32, #tpu.memory_space<vmem>> -> memref<128xf32, #tpu.memory_space<vmem>>
    %swap3A_39 = arith.constant 48 : index
    %swap3A_40 = tpu.vector_load %swap3A_38[%swap3A_39] {strides = array<i32>} : memref<128xf32, #tpu.memory_space<vmem>>, vector<16xf32>,
    %swap3A_41 = vector.shape_cast %swap3A_40 : vector<16xf32> to vector<16xf32>
    %swap3A_42 = vector.shape_cast %broadcast_in_dim3A_11 : vector<16xf32> to vector<16xf32>
    tpu.vector_store %swap3A_38[%swap3A_39], %swap3A_42 {strides = array<i32>} : memref<128xf32, #tpu.memory_space<vmem>>, vector<16xf32>,
    %swap3A_43 = arith.constant 0 : i32
    %swap3A_44 = arith.constant 0 : i32
    %swap3A_45 = tpu.memref_slice %arg7[%swap3A_43, %swap3A_44] : memref<16x128xf32, #tpu.memory_space<vmem>> -> memref<1x128xf32, #tpu.memory_space<vmem>>
    %swap3A_46 = tpu.memref_squeeze %swap3A_45 : memref<1x128xf32, #tpu.memory_space<vmem>> -> memref<128xf32, #tpu.memory_space<vmem>>
    %swap3A_47 = arith.constant 64 : index
    %swap3A_48 = tpu.vector_load %swap3A_46[%swap3A_47] {strides = array<i32>} : memref<128xf32, #tpu.memory_space<vmem>>, vector<16xf32>,
    %swap3A_49 = vector.shape_cast %swap3A_48 : vector<16xf32> to vector<16xf32>
    %swap3A_50 = vector.shape_cast %broadcast_in_dim3A_11 : vector<16xf32> to vector<16xf32>
    tpu.vector_store %swap3A_46[%swap3A_47], %swap3A_50 {strides = array<i32>} : memref<128xf32, #tpu.memory_space<vmem>>, vector<16xf32>,
    %swap3A_51 = arith.constant 0 : i32
    %swap3A_52 = arith.constant 0 : i32
    %swap3A_53 = tpu.memref_slice %arg7[%swap3A_51, %swap3A_52] : memref<16x128xf32, #tpu.memory_space<vmem>> -> memref<1x128xf32, #tpu.memory_space<vmem>>
    %swap3A_54 = tpu.memref_squeeze %swap3A_53 : memref<1x128xf32, #tpu.memory_space<vmem>> -> memref<128xf32, #tpu.memory_space<vmem>>
    %swap3A_55 = arith.constant 80 : index
    %swap3A_56 = tpu.vector_load %swap3A_54[%swap3A_55] {strides = array<i32>} : memref<128xf32, #tpu.memory_space<vmem>>, vector<16xf32>,
    %swap3A_57 = vector.shape_cast %swap3A_56 : vector<16xf32> to vector<16xf32>
    %swap3A_58 = vector.shape_cast %broadcast_in_dim3A_11 : vector<16xf32> to vector<16xf32>
    tpu.vector_store %swap3A_54[%swap3A_55], %swap3A_58 {strides = array<i32>} : memref<128xf32, #tpu.memory_space<vmem>>, vector<16xf32>,
    %swap3A_59 = arith.constant 0 : i32
    %swap3A_60 = arith.constant 0 : i32
    %swap3A_61 = tpu.memref_slice %arg7[%swap3A_59, %swap3A_60] : memref<16x128xf32, #tpu.memory_space<vmem>> -> memref<1x128xf32, #tpu.memory_space<vmem>>
    %swap3A_62 = tpu.memref_squeeze %swap3A_61 : memref<1x128xf32, #tpu.memory_space<vmem>> -> memref<128xf32, #tpu.memory_space<vmem>>
    %swap3A_63 = arith.constant 96 : index
    %swap3A_64 = tpu.vector_load %swap3A_62[%swap3A_63] {strides = array<i32>} : memref<128xf32, #tpu.memory_space<vmem>>, vector<16xf32>,
    %swap3A_65 = vector.shape_cast %swap3A_64 : vector<16xf32> to vector<16xf32>
    %swap3A_66 = vector.shape_cast %broadcast_in_dim3A_11 : vector<16xf32> to vector<16xf32>
    tpu.vector_store %swap3A_62[%swap3A_63], %swap3A_66 {strides = array<i32>} : memref<128xf32, #tpu.memory_space<vmem>>, vector<16xf32>,
    %swap3A_67 = arith.constant 0 : i32
    %swap3A_68 = arith.constant 0 : i32
    %swap3A_69 = tpu.memref_slice %arg7[%swap3A_67, %swap3A_68] : memref<16x128xf32, #tpu.memory_space<vmem>> -> memref<1x128xf32, #tpu.memory_space<vmem>>
    %swap3A_70 = tpu.memref_squeeze %swap3A_69 : memref<1x128xf32, #tpu.memory_space<vmem>> -> memref<128xf32, #tpu.memory_space<vmem>>
    %swap3A_71 = arith.constant 112 : index
    %swap3A_72 = tpu.vector_load %swap3A_70[%swap3A_71] {strides = array<i32>} : memref<128xf32, #tpu.memory_space<vmem>>, vector<16xf32>,
    %swap3A_73 = vector.shape_cast %swap3A_72 : vector<16xf32> to vector<16xf32>
    %swap3A_74 = vector.shape_cast %broadcast_in_dim3A_11 : vector<16xf32> to vector<16xf32>
    tpu.vector_store %swap3A_70[%swap3A_71], %swap3A_74 {strides = array<i32>} : memref<128xf32, #tpu.memory_space<vmem>>, vector<16xf32>,
    %swap3A_75 = arith.constant 1 : i32
    %swap3A_76 = arith.constant 0 : i32
    %swap3A_77 = tpu.memref_slice %arg7[%swap3A_75, %swap3A_76] : memref<16x128xf32, #tpu.memory_space<vmem>> -> memref<1x128xf32, #tpu.memory_space<vmem>>
    %swap3A_78 = tpu.memref_squeeze %swap3A_77 : memref<1x128xf32, #tpu.memory_space<vmem>> -> memref<128xf32, #tpu.memory_space<vmem>>
    %swap3A_79 = arith.constant 0 : index
    %swap3A_80 = tpu.vector_load %swap3A_78[%swap3A_79] {strides = array<i32>} : memref<128xf32, #tpu.memory_space<vmem>>, vector<16xf32>,
    %swap3A_81 = vector.shape_cast %swap3A_80 : vector<16xf32> to vector<16xf32>
    %swap3A_82 = vector.shape_cast %broadcast_in_dim3A_11 : vector<16xf32> to vector<16xf32>
    tpu.vector_store %swap3A_78[%swap3A_79], %swap3A_82 {strides = array<i32>} : memref<128xf32, #tpu.memory_space<vmem>>, vector<16xf32>,
    %swap3A_83 = arith.constant 1 : i32
    %swap3A_84 = arith.constant 0 : i32
    %swap3A_85 = tpu.memref_slice %arg7[%swap3A_83, %swap3A_84] : memref<16x128xf32, #tpu.memory_space<vmem>> -> memref<1x128xf32, #tpu.memory_space<vmem>>
    %swap3A_86 = tpu.memref_squeeze %swap3A_85 : memref<1x128xf32, #tpu.memory_space<vmem>> -> memref<128xf32, #tpu.memory_space<vmem>>
    %swap3A_87 = arith.constant 16 : index
    %swap3A_88 = tpu.vector_load %swap3A_86[%swap3A_87] {strides = array<i32>} : memref<128xf32, #tpu.memory_space<vmem>>, vector<16xf32>,
    %swap3A_89 = vector.shape_cast %swap3A_88 : vector<16xf32> to vector<16xf32>
    %swap3A_90 = vector.shape_cast %broadcast_in_dim3A_11 : vector<16xf32> to vector<16xf32>
    tpu.vector_store %swap3A_86[%swap3A_87], %swap3A_90 {strides = array<i32>} : memref<128xf32, #tpu.memory_space<vmem>>, vector<16xf32>,
    %swap3A_91 = arith.constant 1 : i32
    %swap3A_92 = arith.constant 0 : i32
    %swap3A_93 = tpu.memref_slice %arg7[%swap3A_91, %swap3A_92] : memref<16x128xf32, #tpu.memory_space<vmem>> -> memref<1x128xf32, #tpu.memory_space<vmem>>
    %swap3A_94 = tpu.memref_squeeze %swap3A_93 : memref<1x128xf32, #tpu.memory_space<vmem>> -> memref<128xf32, #tpu.memory_space<vmem>>
    %swap3A_95 = arith.constant 32 : index
    %swap3A_96 = tpu.vector_load %swap3A_94[%swap3A_95] {strides = array<i32>} : memref<128xf32, #tpu.memory_space<vmem>>, vector<16xf32>,
    %swap3A_97 = vector.shape_cast %swap3A_96 : vector<16xf32> to vector<16xf32>
    %swap3A_98 = vector.shape_cast %broadcast_in_dim3A_11 : vector<16xf32> to vector<16xf32>
    tpu.vector_store %swap3A_94[%swap3A_95], %swap3A_98 {strides = array<i32>} : memref<128xf32, #tpu.memory_space<vmem>>, vector<16xf32>,
    %swap3A_99 = arith.constant 1 : i32
    %swap3A_100 = arith.constant 0 : i32
    %swap3A_101 = tpu.memref_slice %arg7[%swap3A_99, %swap3A_100] : memref<16x128xf32, #tpu.memory_space<vmem>> -> memref<1x128xf32, #tpu.memory_space<vmem>>
    %swap3A_102 = tpu.memref_squeeze %swap3A_101 : memref<1x128xf32, #tpu.memory_space<vmem>> -> memref<128xf32, #tpu.memory_space<vmem>>
    %swap3A_103 = arith.constant 48 : index
    %swap3A_104 = tpu.vector_load %swap3A_102[%swap3A_103] {strides = array<i32>} : memref<128xf32, #tpu.memory_space<vmem>>, vector<16xf32>,
    %swap3A_105 = vector.shape_cast %swap3A_104 : vector<16xf32> to vector<16xf32>
    %swap3A_106 = vector.shape_cast %broadcast_in_dim3A_11 : vector<16xf32> to vector<16xf32>
    tpu.vector_store %swap3A_102[%swap3A_103], %swap3A_106 {strides = array<i32>} : memref<128xf32, #tpu.memory_space<vmem>>, vector<16xf32>,
    %swap3A_107 = arith.constant 1 : i32
    %swap3A_108 = arith.constant 0 : i32
    %swap3A_109 = tpu.memref_slice %arg7[%swap3A_107, %swap3A_108] : memref<16x128xf32, #tpu.memory_space<vmem>> -> memref<1x128xf32, #tpu.memory_space<vmem>>
    %swap3A_110 = tpu.memref_squeeze %swap3A_109 : memref<1x128xf32, #tpu.memory_space<vmem>> -> memref<128xf32, #tpu.memory_space<vmem>>
    %swap3A_111 = arith.constant 64 : index
    %swap3A_112 = tpu.vector_load %swap3A_110[%swap3A_111] {strides = array<i32>} : memref<128xf32, #tpu.memory_space<vmem>>, vector<16xf32>,
    %swap3A_113 = vector.shape_cast %swap3A_112 : vector<16xf32> to vector<16xf32>
    %swap3A_114 = vector.shape_cast %broadcast_in_dim3A_11 : vector<16xf32> to vector<16xf32>
    tpu.vector_store %swap3A_110[%swap3A_111], %swap3A_114 {strides = array<i32>} : memref<128xf32, #tpu.memory_space<vmem>>, vector<16xf32>,
    %swap3A_115 = arith.constant 1 : i32
    %swap3A_116 = arith.constant 0 : i32
    %swap3A_117 = tpu.memref_slice %arg7[%swap3A_115, %swap3A_116] : memref<16x128xf32, #tpu.memory_space<vmem>> -> memref<1x128xf32, #tpu.memory_space<vmem>>
    %swap3A_118 = tpu.memref_squeeze %swap3A_117 : memref<1x128xf32, #tpu.memory_space<vmem>> -> memref<128xf32, #tpu.memory_space<vmem>>
    %swap3A_119 = arith.constant 80 : index
    %swap3A_120 = tpu.vector_load %swap3A_118[%swap3A_119] {strides = array<i32>} : memref<128xf32, #tpu.memory_space<vmem>>, vector<16xf32>,
    %swap3A_121 = vector.shape_cast %swap3A_120 : vector<16xf32> to vector<16xf32>
    %swap3A_122 = vector.shape_cast %broadcast_in_dim3A_11 : vector<16xf32> to vector<16xf32>
    tpu.vector_store %swap3A_118[%swap3A_119], %swap3A_122 {strides = array<i32>} : memref<128xf32, #tpu.memory_space<vmem>>, vector<16xf32>,
    %swap3A_123 = arith.constant 1 : i32
    %swap3A_124 = arith.constant 0 : i32
    %swap3A_125 = tpu.memref_slice %arg7[%swap3A_123, %swap3A_124] : memref<16x128xf32, #tpu.memory_space<vmem>> -> memref<1x128xf32, #tpu.memory_space<vmem>>
    %swap3A_126 = tpu.memref_squeeze %swap3A_125 : memref<1x128xf32, #tpu.memory_space<vmem>> -> memref<128xf32, #tpu.memory_space<vmem>>
    %swap3A_127 = arith.constant 96 : index
    %swap3A_128 = tpu.vector_load %swap3A_126[%swap3A_127] {strides = array<i32>} : memref<128xf32, #tpu.memory_space<vmem>>, vector<16xf32>,
    %swap3A_129 = vector.shape_cast %swap3A_128 : vector<16xf32> to vector<16xf32>
    %swap3A_130 = vector.shape_cast %broadcast_in_dim3A_11 : vector<16xf32> to vector<16xf32>
    tpu.vector_store %swap3A_126[%swap3A_127], %swap3A_130 {strides = array<i32>} : memref<128xf32, #tpu.memory_space<vmem>>, vector<16xf32>,
    %swap3A_131 = arith.constant 1 : i32
    %swap3A_132 = arith.constant 0 : i32
    %swap3A_133 = tpu.memref_slice %arg7[%swap3A_131, %swap3A_132] : memref<16x128xf32, #tpu.memory_space<vmem>> -> memref<1x128xf32, #tpu.memory_space<vmem>>
    %swap3A_134 = tpu.memref_squeeze %swap3A_133 : memref<1x128xf32, #tpu.memory_space<vmem>> -> memref<128xf32, #tpu.memory_space<vmem>>
    %swap3A_135 = arith.constant 112 : index
    %swap3A_136 = tpu.vector_load %swap3A_134[%swap3A_135] {strides = array<i32>} : memref<128xf32, #tpu.memory_space<vmem>>, vector<16xf32>,
    %swap3A_137 = vector.shape_cast %swap3A_136 : vector<16xf32> to vector<16xf32>
    %swap3A_138 = vector.shape_cast %broadcast_in_dim3A_11 : vector<16xf32> to vector<16xf32>
    tpu.vector_store %swap3A_134[%swap3A_135], %swap3A_138 {strides = array<i32>} : memref<128xf32, #tpu.memory_space<vmem>>, vector<16xf32>,
    %swap3A_139 = arith.constant 2 : i32
    %swap3A_140 = arith.constant 0 : i32
    %swap3A_141 = tpu.memref_slice %arg7[%swap3A_139, %swap3A_140] : memref<16x128xf32, #tpu.memory_space<vmem>> -> memref<1x128xf32, #tpu.memory_space<vmem>>
    %swap3A_142 = tpu.memref_squeeze %swap3A_141 : memref<1x128xf32, #tpu.memory_space<vmem>> -> memref<128xf32, #tpu.memory_space<vmem>>
    %swap3A_143 = arith.constant 0 : index
    %swap3A_144 = tpu.vector_load %swap3A_142[%swap3A_143] {strides = array<i32>} : memref<128xf32, #tpu.memory_space<vmem>>, vector<16xf32>,
    %swap3A_145 = vector.shape_cast %swap3A_144 : vector<16xf32> to vector<16xf32>
    %swap3A_146 = vector.shape_cast %broadcast_in_dim3A_11 : vector<16xf32> to vector<16xf32>
    tpu.vector_store %swap3A_142[%swap3A_143], %swap3A_146 {strides = array<i32>} : memref<128xf32, #tpu.memory_space<vmem>>, vector<16xf32>,
    %swap3A_147 = arith.constant 2 : i32
    %swap3A_148 = arith.constant 0 : i32
    %swap3A_149 = tpu.memref_slice %arg7[%swap3A_147, %swap3A_148] : memref<16x128xf32, #tpu.memory_space<vmem>> -> memref<1x128xf32, #tpu.memory_space<vmem>>
    %swap3A_150 = tpu.memref_squeeze %swap3A_149 : memref<1x128xf32, #tpu.memory_space<vmem>> -> memref<128xf32, #tpu.memory_space<vmem>>
    %swap3A_151 = arith.constant 16 : index
    %swap3A_152 = tpu.vector_load %swap3A_150[%swap3A_151] {strides = array<i32>} : memref<128xf32, #tpu.memory_space<vmem>>, vector<16xf32>,
    %swap3A_153 = vector.shape_cast %swap3A_152 : vector<16xf32> to vector<16xf32>
    %swap3A_154 = vector.shape_cast %broadcast_in_dim3A_11 : vector<16xf32> to vector<16xf32>
    tpu.vector_store %swap3A_150[%swap3A_151], %swap3A_154 {strides = array<i32>} : memref<128xf32, #tpu.memory_space<vmem>>, vector<16xf32>,
    %swap3A_155 = arith.constant 2 : i32
    %swap3A_156 = arith.constant 0 : i32
    %swap3A_157 = tpu.memref_slice %arg7[%swap3A_155, %swap3A_156] : memref<16x128xf32, #tpu.memory_space<vmem>> -> memref<1x128xf32, #tpu.memory_space<vmem>>
    %swap3A_158 = tpu.memref_squeeze %swap3A_157 : memref<1x128xf32, #tpu.memory_space<vmem>> -> memref<128xf32, #tpu.memory_space<vmem>>
    %swap3A_159 = arith.constant 32 : index
    %swap3A_160 = tpu.vector_load %swap3A_158[%swap3A_159] {strides = array<i32>} : memref<128xf32, #tpu.memory_space<vmem>>, vector<16xf32>,
    %swap3A_161 = vector.shape_cast %swap3A_160 : vector<16xf32> to vector<16xf32>
    %swap3A_162 = vector.shape_cast %broadcast_in_dim3A_11 : vector<16xf32> to vector<16xf32>
    tpu.vector_store %swap3A_158[%swap3A_159], %swap3A_162 {strides = array<i32>} : memref<128xf32, #tpu.memory_space<vmem>>, vector<16xf32>,
    %swap3A_163 = arith.constant 2 : i32
    %swap3A_164 = arith.constant 0 : i32
    %swap3A_165 = tpu.memref_slice %arg7[%swap3A_163, %swap3A_164] : memref<16x128xf32, #tpu.memory_space<vmem>> -> memref<1x128xf32, #tpu.memory_space<vmem>>
    %swap3A_166 = tpu.memref_squeeze %swap3A_165 : memref<1x128xf32, #tpu.memory_space<vmem>> -> memref<128xf32, #tpu.memory_space<vmem>>
    %swap3A_167 = arith.constant 48 : index
    %swap3A_168 = tpu.vector_load %swap3A_166[%swap3A_167] {strides = array<i32>} : memref<128xf32, #tpu.memory_space<vmem>>, vector<16xf32>,
    %swap3A_169 = vector.shape_cast %swap3A_168 : vector<16xf32> to vector<16xf32>
    %swap3A_170 = vector.shape_cast %broadcast_in_dim3A_11 : vector<16xf32> to vector<16xf32>
    tpu.vector_store %swap3A_166[%swap3A_167], %swap3A_170 {strides = array<i32>} : memref<128xf32, #tpu.memory_space<vmem>>, vector<16xf32>,
    %swap3A_171 = arith.constant 2 : i32
    %swap3A_172 = arith.constant 0 : i32
    %swap3A_173 = tpu.memref_slice %arg7[%swap3A_171, %swap3A_172] : memref<16x128xf32, #tpu.memory_space<vmem>> -> memref<1x128xf32, #tpu.memory_space<vmem>>
    %swap3A_174 = tpu.memref_squeeze %swap3A_173 : memref<1x128xf32, #tpu.memory_space<vmem>> -> memref<128xf32, #tpu.memory_space<vmem>>
    %swap3A_175 = arith.constant 64 : index
    %swap3A_176 = tpu.vector_load %swap3A_174[%swap3A_175] {strides = array<i32>} : memref<128xf32, #tpu.memory_space<vmem>>, vector<16xf32>,
    %swap3A_177 = vector.shape_cast %swap3A_176 : vector<16xf32> to vector<16xf32>
    %swap3A_178 = vector.shape_cast %broadcast_in_dim3A_11 : vector<16xf32> to vector<16xf32>
    tpu.vector_store %swap3A_174[%swap3A_175], %swap3A_178 {strides = array<i32>} : memref<128xf32, #tpu.memory_space<vmem>>, vector<16xf32>,
    %swap3A_179 = arith.constant 2 : i32
    %swap3A_180 = arith.constant 0 : i32
    %swap3A_181 = tpu.memref_slice %arg7[%swap3A_179, %swap3A_180] : memref<16x128xf32, #tpu.memory_space<vmem>> -> memref<1x128xf32, #tpu.memory_space<vmem>>
    %swap3A_182 = tpu.memref_squeeze %swap3A_181 : memref<1x128xf32, #tpu.memory_space<vmem>> -> memref<128xf32, #tpu.memory_space<vmem>>
    %swap3A_183 = arith.constant 80 : index
    %swap3A_184 = tpu.vector_load %swap3A_182[%swap3A_183] {strides = array<i32>} : memref<128xf32, #tpu.memory_space<vmem>>, vector<16xf32>,
    %swap3A_185 = vector.shape_cast %swap3A_184 : vector<16xf32> to vector<16xf32>
    %swap3A_186 = vector.shape_cast %broadcast_in_dim3A_11 : vector<16xf32> to vector<16xf32>
    tpu.vector_store %swap3A_182[%swap3A_183], %swap3A_186 {strides = array<i32>} : memref<128xf32, #tpu.memory_space<vmem>>, vector<16xf32>,
    %swap3A_187 = arith.constant 2 : i32
    %swap3A_188 = arith.constant 0 : i32
    %swap3A_189 = tpu.memref_slice %arg7[%swap3A_187, %swap3A_188] : memref<16x128xf32, #tpu.memory_space<vmem>> -> memref<1x128xf32, #tpu.memory_space<vmem>>
    %swap3A_190 = tpu.memref_squeeze %swap3A_189 : memref<1x128xf32, #tpu.memory_space<vmem>> -> memref<128xf32, #tpu.memory_space<vmem>>
    %swap3A_191 = arith.constant 96 : index
    %swap3A_192 = tpu.vector_load %swap3A_190[%swap3A_191] {strides = array<i32>} : memref<128xf32, #tpu.memory_space<vmem>>, vector<16xf32>,
    %swap3A_193 = vector.shape_cast %swap3A_192 : vector<16xf32> to vector<16xf32>
    %swap3A_194 = vector.shape_cast %broadcast_in_dim3A_11 : vector<16xf32> to vector<16xf32>
    tpu.vector_store %swap3A_190[%swap3A_191], %swap3A_194 {strides = array<i32>} : memref<128xf32, #tpu.memory_space<vmem>>, vector<16xf32>,
    %swap3A_195 = arith.constant 2 : i32
    %swap3A_196 = arith.constant 0 : i32
    %swap3A_197 = tpu.memref_slice %arg7[%swap3A_195, %swap3A_196] : memref<16x128xf32, #tpu.memory_space<vmem>> -> memref<1x128xf32, #tpu.memory_space<vmem>>
    %swap3A_198 = tpu.memref_squeeze %swap3A_197 : memref<1x128xf32, #tpu.memory_space<vmem>> -> memref<128xf32, #tpu.memory_space<vmem>>
    %swap3A_199 = arith.constant 112 : index
    %swap3A_200 = tpu.vector_load %swap3A_198[%swap3A_199] {strides = array<i32>} : memref<128xf32, #tpu.memory_space<vmem>>, vector<16xf32>,
    %swap3A_201 = vector.shape_cast %swap3A_200 : vector<16xf32> to vector<16xf32>
    %swap3A_202 = vector.shape_cast %broadcast_in_dim3A_11 : vector<16xf32> to vector<16xf32>
    tpu.vector_store %swap3A_198[%swap3A_199], %swap3A_202 {strides = array<i32>} : memref<128xf32, #tpu.memory_space<vmem>>, vector<16xf32>,
    %swap3A_203 = arith.constant 3 : i32
    %swap3A_204 = arith.constant 0 : i32
    %swap3A_205 = tpu.memref_slice %arg7[%swap3A_203, %swap3A_204] : memref<16x128xf32, #tpu.memory_space<vmem>> -> memref<1x128xf32, #tpu.memory_space<vmem>>
    %swap3A_206 = tpu.memref_squeeze %swap3A_205 : memref<1x128xf32, #tpu.memory_space<vmem>> -> memref<128xf32, #tpu.memory_space<vmem>>
    %swap3A_207 = arith.constant 0 : index
    %swap3A_208 = tpu.vector_load %swap3A_206[%swap3A_207] {strides = array<i32>} : memref<128xf32, #tpu.memory_space<vmem>>, vector<16xf32>,
    %swap3A_209 = vector.shape_cast %swap3A_208 : vector<16xf32> to vector<16xf32>
    %swap3A_210 = vector.shape_cast %broadcast_in_dim3A_11 : vector<16xf32> to vector<16xf32>
    tpu.vector_store %swap3A_206[%swap3A_207], %swap3A_210 {strides = array<i32>} : memref<128xf32, #tpu.memory_space<vmem>>, vector<16xf32>,
    %swap3A_211 = arith.constant 3 : i32
    %swap3A_212 = arith.constant 0 : i32
    %swap3A_213 = tpu.memref_slice %arg7[%swap3A_211, %swap3A_212] : memref<16x128xf32, #tpu.memory_space<vmem>> -> memref<1x128xf32, #tpu.memory_space<vmem>>
    %swap3A_214 = tpu.memref_squeeze %swap3A_213 : memref<1x128xf32, #tpu.memory_space<vmem>> -> memref<128xf32, #tpu.memory_space<vmem>>
    %swap3A_215 = arith.constant 16 : index
    %swap3A_216 = tpu.vector_load %swap3A_214[%swap3A_215] {strides = array<i32>} : memref<128xf32, #tpu.memory_space<vmem>>, vector<16xf32>,
    %swap3A_217 = vector.shape_cast %swap3A_216 : vector<16xf32> to vector<16xf32>
    %swap3A_218 = vector.shape_cast %broadcast_in_dim3A_11 : vector<16xf32> to vector<16xf32>
    tpu.vector_store %swap3A_214[%swap3A_215], %swap3A_218 {strides = array<i32>} : memref<128xf32, #tpu.memory_space<vmem>>, vector<16xf32>,
    %swap3A_219 = arith.constant 3 : i32
    %swap3A_220 = arith.constant 0 : i32
    %swap3A_221 = tpu.memref_slice %arg7[%swap3A_219, %swap3A_220] : memref<16x128xf32, #tpu.memory_space<vmem>> -> memref<1x128xf32, #tpu.memory_space<vmem>>
    %swap3A_222 = tpu.memref_squeeze %swap3A_221 : memref<1x128xf32, #tpu.memory_space<vmem>> -> memref<128xf32, #tpu.memory_space<vmem>>
    %swap3A_223 = arith.constant 32 : index
    %swap3A_224 = tpu.vector_load %swap3A_222[%swap3A_223] {strides = array<i32>} : memref<128xf32, #tpu.memory_space<vmem>>, vector<16xf32>,
    %swap3A_225 = vector.shape_cast %swap3A_224 : vector<16xf32> to vector<16xf32>
    %swap3A_226 = vector.shape_cast %broadcast_in_dim3A_11 : vector<16xf32> to vector<16xf32>
    tpu.vector_store %swap3A_222[%swap3A_223], %swap3A_226 {strides = array<i32>} : memref<128xf32, #tpu.memory_space<vmem>>, vector<16xf32>,
    %swap3A_227 = arith.constant 3 : i32
    %swap3A_228 = arith.constant 0 : i32
    %swap3A_229 = tpu.memref_slice %arg7[%swap3A_227, %swap3A_228] : memref<16x128xf32, #tpu.memory_space<vmem>> -> memref<1x128xf32, #tpu.memory_space<vmem>>
    %swap3A_230 = tpu.memref_squeeze %swap3A_229 : memref<1x128xf32, #tpu.memory_space<vmem>> -> memref<128xf32, #tpu.memory_space<vmem>>
    %swap3A_231 = arith.constant 48 : index
    %swap3A_232 = tpu.vector_load %swap3A_230[%swap3A_231] {strides = array<i32>} : memref<128xf32, #tpu.memory_space<vmem>>, vector<16xf32>,
    %swap3A_233 = vector.shape_cast %swap3A_232 : vector<16xf32> to vector<16xf32>
    %swap3A_234 = vector.shape_cast %broadcast_in_dim3A_11 : vector<16xf32> to vector<16xf32>
    tpu.vector_store %swap3A_230[%swap3A_231], %swap3A_234 {strides = array<i32>} : memref<128xf32, #tpu.memory_space<vmem>>, vector<16xf32>,
    %swap3A_235 = arith.constant 3 : i32
    %swap3A_236 = arith.constant 0 : i32
    %swap3A_237 = tpu.memref_slice %arg7[%swap3A_235, %swap3A_236] : memref<16x128xf32, #tpu.memory_space<vmem>> -> memref<1x128xf32, #tpu.memory_space<vmem>>
    %swap3A_238 = tpu.memref_squeeze %swap3A_237 : memref<1x128xf32, #tpu.memory_space<vmem>> -> memref<128xf32, #tpu.memory_space<vmem>>
    %swap3A_239 = arith.constant 64 : index
    %swap3A_240 = tpu.vector_load %swap3A_238[%swap3A_239] {strides = array<i32>} : memref<128xf32, #tpu.memory_space<vmem>>, vector<16xf32>,
    %swap3A_241 = vector.shape_cast %swap3A_240 : vector<16xf32> to vector<16xf32>
    %swap3A_242 = vector.shape_cast %broadcast_in_dim3A_11 : vector<16xf32> to vector<16xf32>
    tpu.vector_store %swap3A_238[%swap3A_239], %swap3A_242 {strides = array<i32>} : memref<128xf32, #tpu.memory_space<vmem>>, vector<16xf32>,
    %swap3A_243 = arith.constant 3 : i32
    %swap3A_244 = arith.constant 0 : i32
    %swap3A_245 = tpu.memref_slice %arg7[%swap3A_243, %swap3A_244] : memref<16x128xf32, #tpu.memory_space<vmem>> -> memref<1x128xf32, #tpu.memory_space<vmem>>
    %swap3A_246 = tpu.memref_squeeze %swap3A_245 : memref<1x128xf32, #tpu.memory_space<vmem>> -> memref<128xf32, #tpu.memory_space<vmem>>
    %swap3A_247 = arith.constant 80 : index
    %swap3A_248 = tpu.vector_load %swap3A_246[%swap3A_247] {strides = array<i32>} : memref<128xf32, #tpu.memory_space<vmem>>, vector<16xf32>,
    %swap3A_249 = vector.shape_cast %swap3A_248 : vector<16xf32> to vector<16xf32>
    %swap3A_250 = vector.shape_cast %broadcast_in_dim3A_11 : vector<16xf32> to vector<16xf32>
    tpu.vector_store %swap3A_246[%swap3A_247], %swap3A_250 {strides = array<i32>} : memref<128xf32, #tpu.memory_space<vmem>>, vector<16xf32>,
    %swap3A_251 = arith.constant 3 : i32
    %swap3A_252 = arith.constant 0 : i32
    %swap3A_253 = tpu.memref_slice %arg7[%swap3A_251, %swap3A_252] : memref<16x128xf32, #tpu.memory_space<vmem>> -> memref<1x128xf32, #tpu.memory_space<vmem>>
    %swap3A_254 = tpu.memref_squeeze %swap3A_253 : memref<1x128xf32, #tpu.memory_space<vmem>> -> memref<128xf32, #tpu.memory_space<vmem>>
    %swap3A_255 = arith.constant 96 : index
    %swap3A_256 = tpu.vector_load %swap3A_254[%swap3A_255] {strides = array<i32>} : memref<128xf32, #tpu.memory_space<vmem>>, vector<16xf32>,
    %swap3A_257 = vector.shape_cast %swap3A_256 : vector<16xf32> to vector<16xf32>
    %swap3A_258 = vector.shape_cast %broadcast_in_dim3A_11 : vector<16xf32> to vector<16xf32>
    tpu.vector_store %swap3A_254[%swap3A_255], %swap3A_258 {strides = array<i32>} : memref<128xf32, #tpu.memory_space<vmem>>, vector<16xf32>,
    %swap3A_259 = arith.constant 3 : i32
    %swap3A_260 = arith.constant 0 : i32
    %swap3A_261 = tpu.memref_slice %arg7[%swap3A_259, %swap3A_260] : memref<16x128xf32, #tpu.memory_space<vmem>> -> memref<1x128xf32, #tpu.memory_space<vmem>>
    %swap3A_262 = tpu.memref_squeeze %swap3A_261 : memref<1x128xf32, #tpu.memory_space<vmem>> -> memref<128xf32, #tpu.memory_space<vmem>>
    %swap3A_263 = arith.constant 112 : index
    %swap3A_264 = tpu.vector_load %swap3A_262[%swap3A_263] {strides = array<i32>} : memref<128xf32, #tpu.memory_space<vmem>>, vector<16xf32>,
    %swap3A_265 = vector.shape_cast %swap3A_264 : vector<16xf32> to vector<16xf32>
    %swap3A_266 = vector.shape_cast %broadcast_in_dim3A_11 : vector<16xf32> to vector<16xf32>
    tpu.vector_store %swap3A_262[%swap3A_263], %swap3A_266 {strides = array<i32>} : memref<128xf32, #tpu.memory_space<vmem>>, vector<16xf32>,
    %swap3A_267 = arith.constant 4 : i32
    %swap3A_268 = arith.constant 0 : i32
    %swap3A_269 = tpu.memref_slice %arg7[%swap3A_267, %swap3A_268] : memref<16x128xf32, #tpu.memory_space<vmem>> -> memref<1x128xf32, #tpu.memory_space<vmem>>
    %swap3A_270 = tpu.memref_squeeze %swap3A_269 : memref<1x128xf32, #tpu.memory_space<vmem>> -> memref<128xf32, #tpu.memory_space<vmem>>
    %swap3A_271 = arith.constant 0 : index
    %swap3A_272 = tpu.vector_load %swap3A_270[%swap3A_271] {strides = array<i32>} : memref<128xf32, #tpu.memory_space<vmem>>, vector<16xf32>,
    %swap3A_273 = vector.shape_cast %swap3A_272 : vector<16xf32> to vector<16xf32>
    %swap3A_274 = vector.shape_cast %broadcast_in_dim3A_11 : vector<16xf32> to vector<16xf32>
    tpu.vector_store %swap3A_270[%swap3A_271], %swap3A_274 {strides = array<i32>} : memref<128xf32, #tpu.memory_space<vmem>>, vector<16xf32>,
    %swap3A_275 = arith.constant 4 : i32
    %swap3A_276 = arith.constant 0 : i32
    %swap3A_277 = tpu.memref_slice %arg7[%swap3A_275, %swap3A_276] : memref<16x128xf32, #tpu.memory_space<vmem>> -> memref<1x128xf32, #tpu.memory_space<vmem>>
    %swap3A_278 = tpu.memref_squeeze %swap3A_277 : memref<1x128xf32, #tpu.memory_space<vmem>> -> memref<128xf32, #tpu.memory_space<vmem>>
    %swap3A_279 = arith.constant 16 : index
    %swap3A_280 = tpu.vector_load %swap3A_278[%swap3A_279] {strides = array<i32>} : memref<128xf32, #tpu.memory_space<vmem>>, vector<16xf32>,
    %swap3A_281 = vector.shape_cast %swap3A_280 : vector<16xf32> to vector<16xf32>
    %swap3A_282 = vector.shape_cast %broadcast_in_dim3A_11 : vector<16xf32> to vector<16xf32>
    tpu.vector_store %swap3A_278[%swap3A_279], %swap3A_282 {strides = array<i32>} : memref<128xf32, #tpu.memory_space<vmem>>, vector<16xf32>,
    %swap3A_283 = arith.constant 4 : i32
    %swap3A_284 = arith.constant 0 : i32
    %swap3A_285 = tpu.memref_slice %arg7[%swap3A_283, %swap3A_284] : memref<16x128xf32, #tpu.memory_space<vmem>> -> memref<1x128xf32, #tpu.memory_space<vmem>>
    %swap3A_286 = tpu.memref_squeeze %swap3A_285 : memref<1x128xf32, #tpu.memory_space<vmem>> -> memref<128xf32, #tpu.memory_space<vmem>>
    %swap3A_287 = arith.constant 32 : index
    %swap3A_288 = tpu.vector_load %swap3A_286[%swap3A_287] {strides = array<i32>} : memref<128xf32, #tpu.memory_space<vmem>>, vector<16xf32>,
    %swap3A_289 = vector.shape_cast %swap3A_288 : vector<16xf32> to vector<16xf32>
    %swap3A_290 = vector.shape_cast %broadcast_in_dim3A_11 : vector<16xf32> to vector<16xf32>
    tpu.vector_store %swap3A_286[%swap3A_287], %swap3A_290 {strides = array<i32>} : memref<128xf32, #tpu.memory_space<vmem>>, vector<16xf32>,
    %swap3A_291 = arith.constant 4 : i32
    %swap3A_292 = arith.constant 0 : i32
    %swap3A_293 = tpu.memref_slice %arg7[%swap3A_291, %swap3A_292] : memref<16x128xf32, #tpu.memory_space<vmem>> -> memref<1x128xf32, #tpu.memory_space<vmem>>
    %swap3A_294 = tpu.memref_squeeze %swap3A_293 : memref<1x128xf32, #tpu.memory_space<vmem>> -> memref<128xf32, #tpu.memory_space<vmem>>
    %swap3A_295 = arith.constant 48 : index
    %swap3A_296 = tpu.vector_load %swap3A_294[%swap3A_295] {strides = array<i32>} : memref<128xf32, #tpu.memory_space<vmem>>, vector<16xf32>,
    %swap3A_297 = vector.shape_cast %swap3A_296 : vector<16xf32> to vector<16xf32>
    %swap3A_298 = vector.shape_cast %broadcast_in_dim3A_11 : vector<16xf32> to vector<16xf32>
    tpu.vector_store %swap3A_294[%swap3A_295], %swap3A_298 {strides = array<i32>} : memref<128xf32, #tpu.memory_space<vmem>>, vector<16xf32>,
    %swap3A_299 = arith.constant 4 : i32
    %swap3A_300 = arith.constant 0 : i32
    %swap3A_301 = tpu.memref_slice %arg7[%swap3A_299, %swap3A_300] : memref<16x128xf32, #tpu.memory_space<vmem>> -> memref<1x128xf32, #tpu.memory_space<vmem>>
    %swap3A_302 = tpu.memref_squeeze %swap3A_301 : memref<1x128xf32, #tpu.memory_space<vmem>> -> memref<128xf32, #tpu.memory_space<vmem>>
    %swap3A_303 = arith.constant 64 : index
    %swap3A_304 = tpu.vector_load %swap3A_302[%swap3A_303] {strides = array<i32>} : memref<128xf32, #tpu.memory_space<vmem>>, vector<16xf32>,
    %swap3A_305 = vector.shape_cast %swap3A_304 : vector<16xf32> to vector<16xf32>
    %swap3A_306 = vector.shape_cast %broadcast_in_dim3A_11 : vector<16xf32> to vector<16xf32>
    tpu.vector_store %swap3A_302[%swap3A_303], %swap3A_306 {strides = array<i32>} : memref<128xf32, #tpu.memory_space<vmem>>, vector<16xf32>,
    %swap3A_307 = arith.constant 4 : i32
    %swap3A_308 = arith.constant 0 : i32
    %swap3A_309 = tpu.memref_slice %arg7[%swap3A_307, %swap3A_308] : memref<16x128xf32, #tpu.memory_space<vmem>> -> memref<1x128xf32, #tpu.memory_space<vmem>>
    %swap3A_310 = tpu.memref_squeeze %swap3A_309 : memref<1x128xf32, #tpu.memory_space<vmem>> -> memref<128xf32, #tpu.memory_space<vmem>>
    %swap3A_311 = arith.constant 80 : index
    %swap3A_312 = tpu.vector_load %swap3A_310[%swap3A_311] {strides = array<i32>} : memref<128xf32, #tpu.memory_space<vmem>>, vector<16xf32>,
    %swap3A_313 = vector.shape_cast %swap3A_312 : vector<16xf32> to vector<16xf32>
    %swap3A_314 = vector.shape_cast %broadcast_in_dim3A_11 : vector<16xf32> to vector<16xf32>
    tpu.vector_store %swap3A_310[%swap3A_311], %swap3A_314 {strides = array<i32>} : memref<128xf32, #tpu.memory_space<vmem>>, vector<16xf32>,
    %swap3A_315 = arith.constant 4 : i32
    %swap3A_316 = arith.constant 0 : i32
    %swap3A_317 = tpu.memref_slice %arg7[%swap3A_315, %swap3A_316] : memref<16x128xf32, #tpu.memory_space<vmem>> -> memref<1x128xf32, #tpu.memory_space<vmem>>
    %swap3A_318 = tpu.memref_squeeze %swap3A_317 : memref<1x128xf32, #tpu.memory_space<vmem>> -> memref<128xf32, #tpu.memory_space<vmem>>
    %swap3A_319 = arith.constant 96 : index
    %swap3A_320 = tpu.vector_load %swap3A_318[%swap3A_319] {strides = array<i32>} : memref<128xf32, #tpu.memory_space<vmem>>, vector<16xf32>,
    %swap3A_321 = vector.shape_cast %swap3A_320 : vector<16xf32> to vector<16xf32>
    %swap3A_322 = vector.shape_cast %broadcast_in_dim3A_11 : vector<16xf32> to vector<16xf32>
    tpu.vector_store %swap3A_318[%swap3A_319], %swap3A_322 {strides = array<i32>} : memref<128xf32, #tpu.memory_space<vmem>>, vector<16xf32>,
    %swap3A_323 = arith.constant 4 : i32
    %swap3A_324 = arith.constant 0 : i32
    %swap3A_325 = tpu.memref_slice %arg7[%swap3A_323, %swap3A_324] : memref<16x128xf32, #tpu.memory_space<vmem>> -> memref<1x128xf32, #tpu.memory_space<vmem>>
    %swap3A_326 = tpu.memref_squeeze %swap3A_325 : memref<1x128xf32, #tpu.memory_space<vmem>> -> memref<128xf32, #tpu.memory_space<vmem>>
    %swap3A_327 = arith.constant 112 : index
    %swap3A_328 = tpu.vector_load %swap3A_326[%swap3A_327] {strides = array<i32>} : memref<128xf32, #tpu.memory_space<vmem>>, vector<16xf32>,
    %swap3A_329 = vector.shape_cast %swap3A_328 : vector<16xf32> to vector<16xf32>
    %swap3A_330 = vector.shape_cast %broadcast_in_dim3A_11 : vector<16xf32> to vector<16xf32>
    tpu.vector_store %swap3A_326[%swap3A_327], %swap3A_330 {strides = array<i32>} : memref<128xf32, #tpu.memory_space<vmem>>, vector<16xf32>,
    %swap3A_331 = arith.constant 5 : i32
    %swap3A_332 = arith.constant 0 : i32
    %swap3A_333 = tpu.memref_slice %arg7[%swap3A_331, %swap3A_332] : memref<16x128xf32, #tpu.memory_space<vmem>> -> memref<1x128xf32, #tpu.memory_space<vmem>>
    %swap3A_334 = tpu.memref_squeeze %swap3A_333 : memref<1x128xf32, #tpu.memory_space<vmem>> -> memref<128xf32, #tpu.memory_space<vmem>>
    %swap3A_335 = arith.constant 0 : index
    %swap3A_336 = tpu.vector_load %swap3A_334[%swap3A_335] {strides = array<i32>} : memref<128xf32, #tpu.memory_space<vmem>>, vector<16xf32>,
    %swap3A_337 = vector.shape_cast %swap3A_336 : vector<16xf32> to vector<16xf32>
    %swap3A_338 = vector.shape_cast %broadcast_in_dim3A_11 : vector<16xf32> to vector<16xf32>
    tpu.vector_store %swap3A_334[%swap3A_335], %swap3A_338 {strides = array<i32>} : memref<128xf32, #tpu.memory_space<vmem>>, vector<16xf32>,
    %swap3A_339 = arith.constant 5 : i32
    %swap3A_340 = arith.constant 0 : i32
    %swap3A_341 = tpu.memref_slice %arg7[%swap3A_339, %swap3A_340] : memref<16x128xf32, #tpu.memory_space<vmem>> -> memref<1x128xf32, #tpu.memory_space<vmem>>
    %swap3A_342 = tpu.memref_squeeze %swap3A_341 : memref<1x128xf32, #tpu.memory_space<vmem>> -> memref<128xf32, #tpu.memory_space<vmem>>
    %swap3A_343 = arith.constant 16 : index
    %swap3A_344 = tpu.vector_load %swap3A_342[%swap3A_343] {strides = array<i32>} : memref<128xf32, #tpu.memory_space<vmem>>, vector<16xf32>,
    %swap3A_345 = vector.shape_cast %swap3A_344 : vector<16xf32> to vector<16xf32>
    %swap3A_346 = vector.shape_cast %broadcast_in_dim3A_11 : vector<16xf32> to vector<16xf32>
    tpu.vector_store %swap3A_342[%swap3A_343], %swap3A_346 {strides = array<i32>} : memref<128xf32, #tpu.memory_space<vmem>>, vector<16xf32>,
    %swap3A_347 = arith.constant 5 : i32
    %swap3A_348 = arith.constant 0 : i32
    %swap3A_349 = tpu.memref_slice %arg7[%swap3A_347, %swap3A_348] : memref<16x128xf32, #tpu.memory_space<vmem>> -> memref<1x128xf32, #tpu.memory_space<vmem>>
    %swap3A_350 = tpu.memref_squeeze %swap3A_349 : memref<1x128xf32, #tpu.memory_space<vmem>> -> memref<128xf32, #tpu.memory_space<vmem>>
    %swap3A_351 = arith.constant 32 : index
    %swap3A_352 = tpu.vector_load %swap3A_350[%swap3A_351] {strides = array<i32>} : memref<128xf32, #tpu.memory_space<vmem>>, vector<16xf32>,
    %swap3A_353 = vector.shape_cast %swap3A_352 : vector<16xf32> to vector<16xf32>
    %swap3A_354 = vector.shape_cast %broadcast_in_dim3A_11 : vector<16xf32> to vector<16xf32>
    tpu.vector_store %swap3A_350[%swap3A_351], %swap3A_354 {strides = array<i32>} : memref<128xf32, #tpu.memory_space<vmem>>, vector<16xf32>,
    %swap3A_355 = arith.constant 5 : i32
    %swap3A_356 = arith.constant 0 : i32
    %swap3A_357 = tpu.memref_slice %arg7[%swap3A_355, %swap3A_356] : memref<16x128xf32, #tpu.memory_space<vmem>> -> memref<1x128xf32, #tpu.memory_space<vmem>>
    %swap3A_358 = tpu.memref_squeeze %swap3A_357 : memref<1x128xf32, #tpu.memory_space<vmem>> -> memref<128xf32, #tpu.memory_space<vmem>>
    %swap3A_359 = arith.constant 48 : index
    %swap3A_360 = tpu.vector_load %swap3A_358[%swap3A_359] {strides = array<i32>} : memref<128xf32, #tpu.memory_space<vmem>>, vector<16xf32>,
    %swap3A_361 = vector.shape_cast %swap3A_360 : vector<16xf32> to vector<16xf32>
    %swap3A_362 = vector.shape_cast %broadcast_in_dim3A_11 : vector<16xf32> to vector<16xf32>
    tpu.vector_store %swap3A_358[%swap3A_359], %swap3A_362 {strides = array<i32>} : memref<128xf32, #tpu.memory_space<vmem>>, vector<16xf32>,
    %swap3A_363 = arith.constant 5 : i32
    %swap3A_364 = arith.constant 0 : i32
    %swap3A_365 = tpu.memref_slice %arg7[%swap3A_363, %swap3A_364] : memref<16x128xf32, #tpu.memory_space<vmem>> -> memref<1x128xf32, #tpu.memory_space<vmem>>
    %swap3A_366 = tpu.memref_squeeze %swap3A_365 : memref<1x128xf32, #tpu.memory_space<vmem>> -> memref<128xf32, #tpu.memory_space<vmem>>
    %swap3A_367 = arith.constant 64 : index
    %swap3A_368 = tpu.vector_load %swap3A_366[%swap3A_367] {strides = array<i32>} : memref<128xf32, #tpu.memory_space<vmem>>, vector<16xf32>,
    %swap3A_369 = vector.shape_cast %swap3A_368 : vector<16xf32> to vector<16xf32>
    %swap3A_370 = vector.shape_cast %broadcast_in_dim3A_11 : vector<16xf32> to vector<16xf32>
    tpu.vector_store %swap3A_366[%swap3A_367], %swap3A_370 {strides = array<i32>} : memref<128xf32, #tpu.memory_space<vmem>>, vector<16xf32>,
    %swap3A_371 = arith.constant 5 : i32
    %swap3A_372 = arith.constant 0 : i32
    %swap3A_373 = tpu.memref_slice %arg7[%swap3A_371, %swap3A_372] : memref<16x128xf32, #tpu.memory_space<vmem>> -> memref<1x128xf32, #tpu.memory_space<vmem>>
    %swap3A_374 = tpu.memref_squeeze %swap3A_373 : memref<1x128xf32, #tpu.memory_space<vmem>> -> memref<128xf32, #tpu.memory_space<vmem>>
    %swap3A_375 = arith.constant 80 : index
    %swap3A_376 = tpu.vector_load %swap3A_374[%swap3A_375] {strides = array<i32>} : memref<128xf32, #tpu.memory_space<vmem>>, vector<16xf32>,
    %swap3A_377 = vector.shape_cast %swap3A_376 : vector<16xf32> to vector<16xf32>
    %swap3A_378 = vector.shape_cast %broadcast_in_dim3A_11 : vector<16xf32> to vector<16xf32>
    tpu.vector_store %swap3A_374[%swap3A_375], %swap3A_378 {strides = array<i32>} : memref<128xf32, #tpu.memory_space<vmem>>, vector<16xf32>,
    %swap3A_379 = arith.constant 5 : i32
    %swap3A_380 = arith.constant 0 : i32
    %swap3A_381 = tpu.memref_slice %arg7[%swap3A_379, %swap3A_380] : memref<16x128xf32, #tpu.memory_space<vmem>> -> memref<1x128xf32, #tpu.memory_space<vmem>>
    %swap3A_382 = tpu.memref_squeeze %swap3A_381 : memref<1x128xf32, #tpu.memory_space<vmem>> -> memref<128xf32, #tpu.memory_space<vmem>>
    %swap3A_383 = arith.constant 96 : index
    %swap3A_384 = tpu.vector_load %swap3A_382[%swap3A_383] {strides = array<i32>} : memref<128xf32, #tpu.memory_space<vmem>>, vector<16xf32>,
    %swap3A_385 = vector.shape_cast %swap3A_384 : vector<16xf32> to vector<16xf32>
    %swap3A_386 = vector.shape_cast %broadcast_in_dim3A_11 : vector<16xf32> to vector<16xf32>
    tpu.vector_store %swap3A_382[%swap3A_383], %swap3A_386 {strides = array<i32>} : memref<128xf32, #tpu.memory_space<vmem>>, vector<16xf32>,
    %swap3A_387 = arith.constant 5 : i32
    %swap3A_388 = arith.constant 0 : i32
    %swap3A_389 = tpu.memref_slice %arg7[%swap3A_387, %swap3A_388] : memref<16x128xf32, #tpu.memory_space<vmem>> -> memref<1x128xf32, #tpu.memory_space<vmem>>
    %swap3A_390 = tpu.memref_squeeze %swap3A_389 : memref<1x128xf32, #tpu.memory_space<vmem>> -> memref<128xf32, #tpu.memory_space<vmem>>
    %swap3A_391 = arith.constant 112 : index
    %swap3A_392 = tpu.vector_load %swap3A_390[%swap3A_391] {strides = array<i32>} : memref<128xf32, #tpu.memory_space<vmem>>, vector<16xf32>,
    %swap3A_393 = vector.shape_cast %swap3A_392 : vector<16xf32> to vector<16xf32>
    %swap3A_394 = vector.shape_cast %broadcast_in_dim3A_11 : vector<16xf32> to vector<16xf32>
    tpu.vector_store %swap3A_390[%swap3A_391], %swap3A_394 {strides = array<i32>} : memref<128xf32, #tpu.memory_space<vmem>>, vector<16xf32>,
    %swap3A_395 = arith.constant 6 : i32
    %swap3A_396 = arith.constant 0 : i32
    %swap3A_397 = tpu.memref_slice %arg7[%swap3A_395, %swap3A_396] : memref<16x128xf32, #tpu.memory_space<vmem>> -> memref<1x128xf32, #tpu.memory_space<vmem>>
    %swap3A_398 = tpu.memref_squeeze %swap3A_397 : memref<1x128xf32, #tpu.memory_space<vmem>> -> memref<128xf32, #tpu.memory_space<vmem>>
    %swap3A_399 = arith.constant 0 : index
    %swap3A_400 = tpu.vector_load %swap3A_398[%swap3A_399] {strides = array<i32>} : memref<128xf32, #tpu.memory_space<vmem>>, vector<16xf32>,
    %swap3A_401 = vector.shape_cast %swap3A_400 : vector<16xf32> to vector<16xf32>
    %swap3A_402 = vector.shape_cast %broadcast_in_dim3A_11 : vector<16xf32> to vector<16xf32>
    tpu.vector_store %swap3A_398[%swap3A_399], %swap3A_402 {strides = array<i32>} : memref<128xf32, #tpu.memory_space<vmem>>, vector<16xf32>,
    %swap3A_403 = arith.constant 6 : i32
    %swap3A_404 = arith.constant 0 : i32
    %swap3A_405 = tpu.memref_slice %arg7[%swap3A_403, %swap3A_404] : memref<16x128xf32, #tpu.memory_space<vmem>> -> memref<1x128xf32, #tpu.memory_space<vmem>>
    %swap3A_406 = tpu.memref_squeeze %swap3A_405 : memref<1x128xf32, #tpu.memory_space<vmem>> -> memref<128xf32, #tpu.memory_space<vmem>>
    %swap3A_407 = arith.constant 16 : index
    %swap3A_408 = tpu.vector_load %swap3A_406[%swap3A_407] {strides = array<i32>} : memref<128xf32, #tpu.memory_space<vmem>>, vector<16xf32>,
    %swap3A_409 = vector.shape_cast %swap3A_408 : vector<16xf32> to vector<16xf32>
    %swap3A_410 = vector.shape_cast %broadcast_in_dim3A_11 : vector<16xf32> to vector<16xf32>
    tpu.vector_store %swap3A_406[%swap3A_407], %swap3A_410 {strides = array<i32>} : memref<128xf32, #tpu.memory_space<vmem>>, vector<16xf32>,
    %swap3A_411 = arith.constant 6 : i32
    %swap3A_412 = arith.constant 0 : i32
    %swap3A_413 = tpu.memref_slice %arg7[%swap3A_411, %swap3A_412] : memref<16x128xf32, #tpu.memory_space<vmem>> -> memref<1x128xf32, #tpu.memory_space<vmem>>
    %swap3A_414 = tpu.memref_squeeze %swap3A_413 : memref<1x128xf32, #tpu.memory_space<vmem>> -> memref<128xf32, #tpu.memory_space<vmem>>
    %swap3A_415 = arith.constant 32 : index
    %swap3A_416 = tpu.vector_load %swap3A_414[%swap3A_415] {strides = array<i32>} : memref<128xf32, #tpu.memory_space<vmem>>, vector<16xf32>,
    %swap3A_417 = vector.shape_cast %swap3A_416 : vector<16xf32> to vector<16xf32>
    %swap3A_418 = vector.shape_cast %broadcast_in_dim3A_11 : vector<16xf32> to vector<16xf32>
    tpu.vector_store %swap3A_414[%swap3A_415], %swap3A_418 {strides = array<i32>} : memref<128xf32, #tpu.memory_space<vmem>>, vector<16xf32>,
    %swap3A_419 = arith.constant 6 : i32
    %swap3A_420 = arith.constant 0 : i32
    %swap3A_421 = tpu.memref_slice %arg7[%swap3A_419, %swap3A_420] : memref<16x128xf32, #tpu.memory_space<vmem>> -> memref<1x128xf32, #tpu.memory_space<vmem>>
    %swap3A_422 = tpu.memref_squeeze %swap3A_421 : memref<1x128xf32, #tpu.memory_space<vmem>> -> memref<128xf32, #tpu.memory_space<vmem>>
    %swap3A_423 = arith.constant 48 : index
    %swap3A_424 = tpu.vector_load %swap3A_422[%swap3A_423] {strides = array<i32>} : memref<128xf32, #tpu.memory_space<vmem>>, vector<16xf32>,
    %swap3A_425 = vector.shape_cast %swap3A_424 : vector<16xf32> to vector<16xf32>
    %swap3A_426 = vector.shape_cast %broadcast_in_dim3A_11 : vector<16xf32> to vector<16xf32>
    tpu.vector_store %swap3A_422[%swap3A_423], %swap3A_426 {strides = array<i32>} : memref<128xf32, #tpu.memory_space<vmem>>, vector<16xf32>,
    %swap3A_427 = arith.constant 6 : i32
    %swap3A_428 = arith.constant 0 : i32
    %swap3A_429 = tpu.memref_slice %arg7[%swap3A_427, %swap3A_428] : memref<16x128xf32, #tpu.memory_space<vmem>> -> memref<1x128xf32, #tpu.memory_space<vmem>>
    %swap3A_430 = tpu.memref_squeeze %swap3A_429 : memref<1x128xf32, #tpu.memory_space<vmem>> -> memref<128xf32, #tpu.memory_space<vmem>>
    %swap3A_431 = arith.constant 64 : index
    %swap3A_432 = tpu.vector_load %swap3A_430[%swap3A_431] {strides = array<i32>} : memref<128xf32, #tpu.memory_space<vmem>>, vector<16xf32>,
    %swap3A_433 = vector.shape_cast %swap3A_432 : vector<16xf32> to vector<16xf32>
    %swap3A_434 = vector.shape_cast %broadcast_in_dim3A_11 : vector<16xf32> to vector<16xf32>
    tpu.vector_store %swap3A_430[%swap3A_431], %swap3A_434 {strides = array<i32>} : memref<128xf32, #tpu.memory_space<vmem>>, vector<16xf32>,
    %swap3A_435 = arith.constant 6 : i32
    %swap3A_436 = arith.constant 0 : i32
    %swap3A_437 = tpu.memref_slice %arg7[%swap3A_435, %swap3A_436] : memref<16x128xf32, #tpu.memory_space<vmem>> -> memref<1x128xf32, #tpu.memory_space<vmem>>
    %swap3A_438 = tpu.memref_squeeze %swap3A_437 : memref<1x128xf32, #tpu.memory_space<vmem>> -> memref<128xf32, #tpu.memory_space<vmem>>
    %swap3A_439 = arith.constant 80 : index
    %swap3A_440 = tpu.vector_load %swap3A_438[%swap3A_439] {strides = array<i32>} : memref<128xf32, #tpu.memory_space<vmem>>, vector<16xf32>,
    %swap3A_441 = vector.shape_cast %swap3A_440 : vector<16xf32> to vector<16xf32>
    %swap3A_442 = vector.shape_cast %broadcast_in_dim3A_11 : vector<16xf32> to vector<16xf32>
    tpu.vector_store %swap3A_438[%swap3A_439], %swap3A_442 {strides = array<i32>} : memref<128xf32, #tpu.memory_space<vmem>>, vector<16xf32>,
    %swap3A_443 = arith.constant 6 : i32
    %swap3A_444 = arith.constant 0 : i32
    %swap3A_445 = tpu.memref_slice %arg7[%swap3A_443, %swap3A_444] : memref<16x128xf32, #tpu.memory_space<vmem>> -> memref<1x128xf32, #tpu.memory_space<vmem>>
    %swap3A_446 = tpu.memref_squeeze %swap3A_445 : memref<1x128xf32, #tpu.memory_space<vmem>> -> memref<128xf32, #tpu.memory_space<vmem>>
    %swap3A_447 = arith.constant 96 : index
    %swap3A_448 = tpu.vector_load %swap3A_446[%swap3A_447] {strides = array<i32>} : memref<128xf32, #tpu.memory_space<vmem>>, vector<16xf32>,
    %swap3A_449 = vector.shape_cast %swap3A_448 : vector<16xf32> to vector<16xf32>
    %swap3A_450 = vector.shape_cast %broadcast_in_dim3A_11 : vector<16xf32> to vector<16xf32>
    tpu.vector_store %swap3A_446[%swap3A_447], %swap3A_450 {strides = array<i32>} : memref<128xf32, #tpu.memory_space<vmem>>, vector<16xf32>,
    %swap3A_451 = arith.constant 6 : i32
    %swap3A_452 = arith.constant 0 : i32
    %swap3A_453 = tpu.memref_slice %arg7[%swap3A_451, %swap3A_452] : memref<16x128xf32, #tpu.memory_space<vmem>> -> memref<1x128xf32, #tpu.memory_space<vmem>>
    %swap3A_454 = tpu.memref_squeeze %swap3A_453 : memref<1x128xf32, #tpu.memory_space<vmem>> -> memref<128xf32, #tpu.memory_space<vmem>>
    %swap3A_455 = arith.constant 112 : index
    %swap3A_456 = tpu.vector_load %swap3A_454[%swap3A_455] {strides = array<i32>} : memref<128xf32, #tpu.memory_space<vmem>>, vector<16xf32>,
    %swap3A_457 = vector.shape_cast %swap3A_456 : vector<16xf32> to vector<16xf32>
    %swap3A_458 = vector.shape_cast %broadcast_in_dim3A_11 : vector<16xf32> to vector<16xf32>
    tpu.vector_store %swap3A_454[%swap3A_455], %swap3A_458 {strides = array<i32>} : memref<128xf32, #tpu.memory_space<vmem>>, vector<16xf32>,
    %swap3A_459 = arith.constant 7 : i32
    %swap3A_460 = arith.constant 0 : i32
    %swap3A_461 = tpu.memref_slice %arg7[%swap3A_459, %swap3A_460] : memref<16x128xf32, #tpu.memory_space<vmem>> -> memref<1x128xf32, #tpu.memory_space<vmem>>
    %swap3A_462 = tpu.memref_squeeze %swap3A_461 : memref<1x128xf32, #tpu.memory_space<vmem>> -> memref<128xf32, #tpu.memory_space<vmem>>
    %swap3A_463 = arith.constant 0 : index
    %swap3A_464 = tpu.vector_load %swap3A_462[%swap3A_463] {strides = array<i32>} : memref<128xf32, #tpu.memory_space<vmem>>, vector<16xf32>,
    %swap3A_465 = vector.shape_cast %swap3A_464 : vector<16xf32> to vector<16xf32>
    %swap3A_466 = vector.shape_cast %broadcast_in_dim3A_11 : vector<16xf32> to vector<16xf32>
    tpu.vector_store %swap3A_462[%swap3A_463], %swap3A_466 {strides = array<i32>} : memref<128xf32, #tpu.memory_space<vmem>>, vector<16xf32>,
    %swap3A_467 = arith.constant 7 : i32
    %swap3A_468 = arith.constant 0 : i32
    %swap3A_469 = tpu.memref_slice %arg7[%swap3A_467, %swap3A_468] : memref<16x128xf32, #tpu.memory_space<vmem>> -> memref<1x128xf32, #tpu.memory_space<vmem>>
    %swap3A_470 = tpu.memref_squeeze %swap3A_469 : memref<1x128xf32, #tpu.memory_space<vmem>> -> memref<128xf32, #tpu.memory_space<vmem>>
    %swap3A_471 = arith.constant 16 : index
    %swap3A_472 = tpu.vector_load %swap3A_470[%swap3A_471] {strides = array<i32>} : memref<128xf32, #tpu.memory_space<vmem>>, vector<16xf32>,
    %swap3A_473 = vector.shape_cast %swap3A_472 : vector<16xf32> to vector<16xf32>
    %swap3A_474 = vector.shape_cast %broadcast_in_dim3A_11 : vector<16xf32> to vector<16xf32>
    tpu.vector_store %swap3A_470[%swap3A_471], %swap3A_474 {strides = array<i32>} : memref<128xf32, #tpu.memory_space<vmem>>, vector<16xf32>,
    %swap3A_475 = arith.constant 7 : i32
    %swap3A_476 = arith.constant 0 : i32
    %swap3A_477 = tpu.memref_slice %arg7[%swap3A_475, %swap3A_476] : memref<16x128xf32, #tpu.memory_space<vmem>> -> memref<1x128xf32, #tpu.memory_space<vmem>>
    %swap3A_478 = tpu.memref_squeeze %swap3A_477 : memref<1x128xf32, #tpu.memory_space<vmem>> -> memref<128xf32, #tpu.memory_space<vmem>>
    %swap3A_479 = arith.constant 32 : index
    %swap3A_480 = tpu.vector_load %swap3A_478[%swap3A_479] {strides = array<i32>} : memref<128xf32, #tpu.memory_space<vmem>>, vector<16xf32>,
    %swap3A_481 = vector.shape_cast %swap3A_480 : vector<16xf32> to vector<16xf32>
    %swap3A_482 = vector.shape_cast %broadcast_in_dim3A_11 : vector<16xf32> to vector<16xf32>
    tpu.vector_store %swap3A_478[%swap3A_479], %swap3A_482 {strides = array<i32>} : memref<128xf32, #tpu.memory_space<vmem>>, vector<16xf32>,
    %swap3A_483 = arith.constant 7 : i32
    %swap3A_484 = arith.constant 0 : i32
    %swap3A_485 = tpu.memref_slice %arg7[%swap3A_483, %swap3A_484] : memref<16x128xf32, #tpu.memory_space<vmem>> -> memref<1x128xf32, #tpu.memory_space<vmem>>
    %swap3A_486 = tpu.memref_squeeze %swap3A_485 : memref<1x128xf32, #tpu.memory_space<vmem>> -> memref<128xf32, #tpu.memory_space<vmem>>
    %swap3A_487 = arith.constant 48 : index
    %swap3A_488 = tpu.vector_load %swap3A_486[%swap3A_487] {strides = array<i32>} : memref<128xf32, #tpu.memory_space<vmem>>, vector<16xf32>,
    %swap3A_489 = vector.shape_cast %swap3A_488 : vector<16xf32> to vector<16xf32>
    %swap3A_490 = vector.shape_cast %broadcast_in_dim3A_11 : vector<16xf32> to vector<16xf32>
    tpu.vector_store %swap3A_486[%swap3A_487], %swap3A_490 {strides = array<i32>} : memref<128xf32, #tpu.memory_space<vmem>>, vector<16xf32>,
    %swap3A_491 = arith.constant 7 : i32
    %swap3A_492 = arith.constant 0 : i32
    %swap3A_493 = tpu.memref_slice %arg7[%swap3A_491, %swap3A_492] : memref<16x128xf32, #tpu.memory_space<vmem>> -> memref<1x128xf32, #tpu.memory_space<vmem>>
    %swap3A_494 = tpu.memref_squeeze %swap3A_493 : memref<1x128xf32, #tpu.memory_space<vmem>> -> memref<128xf32, #tpu.memory_space<vmem>>
    %swap3A_495 = arith.constant 64 : index
    %swap3A_496 = tpu.vector_load %swap3A_494[%swap3A_495] {strides = array<i32>} : memref<128xf32, #tpu.memory_space<vmem>>, vector<16xf32>,
    %swap3A_497 = vector.shape_cast %swap3A_496 : vector<16xf32> to vector<16xf32>
    %swap3A_498 = vector.shape_cast %broadcast_in_dim3A_11 : vector<16xf32> to vector<16xf32>
    tpu.vector_store %swap3A_494[%swap3A_495], %swap3A_498 {strides = array<i32>} : memref<128xf32, #tpu.memory_space<vmem>>, vector<16xf32>,
    %swap3A_499 = arith.constant 7 : i32
    %swap3A_500 = arith.constant 0 : i32
    %swap3A_501 = tpu.memref_slice %arg7[%swap3A_499, %swap3A_500] : memref<16x128xf32, #tpu.memory_space<vmem>> -> memref<1x128xf32, #tpu.memory_space<vmem>>
    %swap3A_502 = tpu.memref_squeeze %swap3A_501 : memref<1x128xf32, #tpu.memory_space<vmem>> -> memref<128xf32, #tpu.memory_space<vmem>>
    %swap3A_503 = arith.constant 80 : index
    %swap3A_504 = tpu.vector_load %swap3A_502[%swap3A_503] {strides = array<i32>} : memref<128xf32, #tpu.memory_space<vmem>>, vector<16xf32>,
    %swap3A_505 = vector.shape_cast %swap3A_504 : vector<16xf32> to vector<16xf32>
    %swap3A_506 = vector.shape_cast %broadcast_in_dim3A_11 : vector<16xf32> to vector<16xf32>
    tpu.vector_store %swap3A_502[%swap3A_503], %swap3A_506 {strides = array<i32>} : memref<128xf32, #tpu.memory_space<vmem>>, vector<16xf32>,
    %swap3A_507 = arith.constant 7 : i32
    %swap3A_508 = arith.constant 0 : i32
    %swap3A_509 = tpu.memref_slice %arg7[%swap3A_507, %swap3A_508] : memref<16x128xf32, #tpu.memory_space<vmem>> -> memref<1x128xf32, #tpu.memory_space<vmem>>
    %swap3A_510 = tpu.memref_squeeze %swap3A_509 : memref<1x128xf32, #tpu.memory_space<vmem>> -> memref<128xf32, #tpu.memory_space<vmem>>
    %swap3A_511 = arith.constant 96 : index
    %swap3A_512 = tpu.vector_load %swap3A_510[%swap3A_511] {strides = array<i32>} : memref<128xf32, #tpu.memory_space<vmem>>, vector<16xf32>,
    %swap3A_513 = vector.shape_cast %swap3A_512 : vector<16xf32> to vector<16xf32>
    %swap3A_514 = vector.shape_cast %broadcast_in_dim3A_11 : vector<16xf32> to vector<16xf32>
    tpu.vector_store %swap3A_510[%swap3A_511], %swap3A_514 {strides = array<i32>} : memref<128xf32, #tpu.memory_space<vmem>>, vector<16xf32>,
    %swap3A_515 = arith.constant 7 : i32
    %swap3A_516 = arith.constant 0 : i32
    %swap3A_517 = tpu.memref_slice %arg7[%swap3A_515, %swap3A_516] : memref<16x128xf32, #tpu.memory_space<vmem>> -> memref<1x128xf32, #tpu.memory_space<vmem>>
    %swap3A_518 = tpu.memref_squeeze %swap3A_517 : memref<1x128xf32, #tpu.memory_space<vmem>> -> memref<128xf32, #tpu.memory_space<vmem>>
    %swap3A_519 = arith.constant 112 : index
    %swap3A_520 = tpu.vector_load %swap3A_518[%swap3A_519] {strides = array<i32>} : memref<128xf32, #tpu.memory_space<vmem>>, vector<16xf32>,
    %swap3A_521 = vector.shape_cast %swap3A_520 : vector<16xf32> to vector<16xf32>
    %swap3A_522 = vector.shape_cast %broadcast_in_dim3A_11 : vector<16xf32> to vector<16xf32>
    tpu.vector_store %swap3A_518[%swap3A_519], %swap3A_522 {strides = array<i32>} : memref<128xf32, #tpu.memory_space<vmem>>, vector<16xf32>,
    %swap3A_523 = arith.constant 8 : i32
    %swap3A_524 = arith.constant 0 : i32
    %swap3A_525 = tpu.memref_slice %arg7[%swap3A_523, %swap3A_524] : memref<16x128xf32, #tpu.memory_space<vmem>> -> memref<1x128xf32, #tpu.memory_space<vmem>>
    %swap3A_526 = tpu.memref_squeeze %swap3A_525 : memref<1x128xf32, #tpu.memory_space<vmem>> -> memref<128xf32, #tpu.memory_space<vmem>>
    %swap3A_527 = arith.constant 0 : index
    %swap3A_528 = tpu.vector_load %swap3A_526[%swap3A_527] {strides = array<i32>} : memref<128xf32, #tpu.memory_space<vmem>>, vector<16xf32>,
    %swap3A_529 = vector.shape_cast %swap3A_528 : vector<16xf32> to vector<16xf32>
    %swap3A_530 = vector.shape_cast %broadcast_in_dim3A_11 : vector<16xf32> to vector<16xf32>
    tpu.vector_store %swap3A_526[%swap3A_527], %swap3A_530 {strides = array<i32>} : memref<128xf32, #tpu.memory_space<vmem>>, vector<16xf32>,
    %swap3A_531 = arith.constant 8 : i32
    %swap3A_532 = arith.constant 0 : i32
    %swap3A_533 = tpu.memref_slice %arg7[%swap3A_531, %swap3A_532] : memref<16x128xf32, #tpu.memory_space<vmem>> -> memref<1x128xf32, #tpu.memory_space<vmem>>
    %swap3A_534 = tpu.memref_squeeze %swap3A_533 : memref<1x128xf32, #tpu.memory_space<vmem>> -> memref<128xf32, #tpu.memory_space<vmem>>
    %swap3A_535 = arith.constant 16 : index
    %swap3A_536 = tpu.vector_load %swap3A_534[%swap3A_535] {strides = array<i32>} : memref<128xf32, #tpu.memory_space<vmem>>, vector<16xf32>,
    %swap3A_537 = vector.shape_cast %swap3A_536 : vector<16xf32> to vector<16xf32>
    %swap3A_538 = vector.shape_cast %broadcast_in_dim3A_11 : vector<16xf32> to vector<16xf32>
    tpu.vector_store %swap3A_534[%swap3A_535], %swap3A_538 {strides = array<i32>} : memref<128xf32, #tpu.memory_space<vmem>>, vector<16xf32>,
    %swap3A_539 = arith.constant 8 : i32
    %swap3A_540 = arith.constant 0 : i32
    %swap3A_541 = tpu.memref_slice %arg7[%swap3A_539, %swap3A_540] : memref<16x128xf32, #tpu.memory_space<vmem>> -> memref<1x128xf32, #tpu.memory_space<vmem>>
    %swap3A_542 = tpu.memref_squeeze %swap3A_541 : memref<1x128xf32, #tpu.memory_space<vmem>> -> memref<128xf32, #tpu.memory_space<vmem>>
    %swap3A_543 = arith.constant 32 : index
    %swap3A_544 = tpu.vector_load %swap3A_542[%swap3A_543] {strides = array<i32>} : memref<128xf32, #tpu.memory_space<vmem>>, vector<16xf32>,
    %swap3A_545 = vector.shape_cast %swap3A_544 : vector<16xf32> to vector<16xf32>
    %swap3A_546 = vector.shape_cast %broadcast_in_dim3A_11 : vector<16xf32> to vector<16xf32>
    tpu.vector_store %swap3A_542[%swap3A_543], %swap3A_546 {strides = array<i32>} : memref<128xf32, #tpu.memory_space<vmem>>, vector<16xf32>,
    %swap3A_547 = arith.constant 8 : i32
    %swap3A_548 = arith.constant 0 : i32
    %swap3A_549 = tpu.memref_slice %arg7[%swap3A_547, %swap3A_548] : memref<16x128xf32, #tpu.memory_space<vmem>> -> memref<1x128xf32, #tpu.memory_space<vmem>>
    %swap3A_550 = tpu.memref_squeeze %swap3A_549 : memref<1x128xf32, #tpu.memory_space<vmem>> -> memref<128xf32, #tpu.memory_space<vmem>>
    %swap3A_551 = arith.constant 48 : index
    %swap3A_552 = tpu.vector_load %swap3A_550[%swap3A_551] {strides = array<i32>} : memref<128xf32, #tpu.memory_space<vmem>>, vector<16xf32>,
    %swap3A_553 = vector.shape_cast %swap3A_552 : vector<16xf32> to vector<16xf32>
    %swap3A_554 = vector.shape_cast %broadcast_in_dim3A_11 : vector<16xf32> to vector<16xf32>
    tpu.vector_store %swap3A_550[%swap3A_551], %swap3A_554 {strides = array<i32>} : memref<128xf32, #tpu.memory_space<vmem>>, vector<16xf32>,
    %swap3A_555 = arith.constant 8 : i32
    %swap3A_556 = arith.constant 0 : i32
    %swap3A_557 = tpu.memref_slice %arg7[%swap3A_555, %swap3A_556] : memref<16x128xf32, #tpu.memory_space<vmem>> -> memref<1x128xf32, #tpu.memory_space<vmem>>
    %swap3A_558 = tpu.memref_squeeze %swap3A_557 : memref<1x128xf32, #tpu.memory_space<vmem>> -> memref<128xf32, #tpu.memory_space<vmem>>
    %swap3A_559 = arith.constant 64 : index
    %swap3A_560 = tpu.vector_load %swap3A_558[%swap3A_559] {strides = array<i32>} : memref<128xf32, #tpu.memory_space<vmem>>, vector<16xf32>,
    %swap3A_561 = vector.shape_cast %swap3A_560 : vector<16xf32> to vector<16xf32>
    %swap3A_562 = vector.shape_cast %broadcast_in_dim3A_11 : vector<16xf32> to vector<16xf32>
    tpu.vector_store %swap3A_558[%swap3A_559], %swap3A_562 {strides = array<i32>} : memref<128xf32, #tpu.memory_space<vmem>>, vector<16xf32>,
    %swap3A_563 = arith.constant 8 : i32
    %swap3A_564 = arith.constant 0 : i32
    %swap3A_565 = tpu.memref_slice %arg7[%swap3A_563, %swap3A_564] : memref<16x128xf32, #tpu.memory_space<vmem>> -> memref<1x128xf32, #tpu.memory_space<vmem>>
    %swap3A_566 = tpu.memref_squeeze %swap3A_565 : memref<1x128xf32, #tpu.memory_space<vmem>> -> memref<128xf32, #tpu.memory_space<vmem>>
    %swap3A_567 = arith.constant 80 : index
    %swap3A_568 = tpu.vector_load %swap3A_566[%swap3A_567] {strides = array<i32>} : memref<128xf32, #tpu.memory_space<vmem>>, vector<16xf32>,
    %swap3A_569 = vector.shape_cast %swap3A_568 : vector<16xf32> to vector<16xf32>
    %swap3A_570 = vector.shape_cast %broadcast_in_dim3A_11 : vector<16xf32> to vector<16xf32>
    tpu.vector_store %swap3A_566[%swap3A_567], %swap3A_570 {strides = array<i32>} : memref<128xf32, #tpu.memory_space<vmem>>, vector<16xf32>,
    %swap3A_571 = arith.constant 8 : i32
    %swap3A_572 = arith.constant 0 : i32
    %swap3A_573 = tpu.memref_slice %arg7[%swap3A_571, %swap3A_572] : memref<16x128xf32, #tpu.memory_space<vmem>> -> memref<1x128xf32, #tpu.memory_space<vmem>>
    %swap3A_574 = tpu.memref_squeeze %swap3A_573 : memref<1x128xf32, #tpu.memory_space<vmem>> -> memref<128xf32, #tpu.memory_space<vmem>>
    %swap3A_575 = arith.constant 96 : index
    %swap3A_576 = tpu.vector_load %swap3A_574[%swap3A_575] {strides = array<i32>} : memref<128xf32, #tpu.memory_space<vmem>>, vector<16xf32>,
    %swap3A_577 = vector.shape_cast %swap3A_576 : vector<16xf32> to vector<16xf32>
    %swap3A_578 = vector.shape_cast %broadcast_in_dim3A_11 : vector<16xf32> to vector<16xf32>
    tpu.vector_store %swap3A_574[%swap3A_575], %swap3A_578 {strides = array<i32>} : memref<128xf32, #tpu.memory_space<vmem>>, vector<16xf32>,
    %swap3A_579 = arith.constant 8 : i32
    %swap3A_580 = arith.constant 0 : i32
    %swap3A_581 = tpu.memref_slice %arg7[%swap3A_579, %swap3A_580] : memref<16x128xf32, #tpu.memory_space<vmem>> -> memref<1x128xf32, #tpu.memory_space<vmem>>
    %swap3A_582 = tpu.memref_squeeze %swap3A_581 : memref<1x128xf32, #tpu.memory_space<vmem>> -> memref<128xf32, #tpu.memory_space<vmem>>
    %swap3A_583 = arith.constant 112 : index
    %swap3A_584 = tpu.vector_load %swap3A_582[%swap3A_583] {strides = array<i32>} : memref<128xf32, #tpu.memory_space<vmem>>, vector<16xf32>,
    %swap3A_585 = vector.shape_cast %swap3A_584 : vector<16xf32> to vector<16xf32>
    %swap3A_586 = vector.shape_cast %broadcast_in_dim3A_11 : vector<16xf32> to vector<16xf32>
    tpu.vector_store %swap3A_582[%swap3A_583], %swap3A_586 {strides = array<i32>} : memref<128xf32, #tpu.memory_space<vmem>>, vector<16xf32>,
    %swap3A_587 = arith.constant 9 : i32
    %swap3A_588 = arith.constant 0 : i32
    %swap3A_589 = tpu.memref_slice %arg7[%swap3A_587, %swap3A_588] : memref<16x128xf32, #tpu.memory_space<vmem>> -> memref<1x128xf32, #tpu.memory_space<vmem>>
    %swap3A_590 = tpu.memref_squeeze %swap3A_589 : memref<1x128xf32, #tpu.memory_space<vmem>> -> memref<128xf32, #tpu.memory_space<vmem>>
    %swap3A_591 = arith.constant 0 : index
    %swap3A_592 = tpu.vector_load %swap3A_590[%swap3A_591] {strides = array<i32>} : memref<128xf32, #tpu.memory_space<vmem>>, vector<16xf32>,
    %swap3A_593 = vector.shape_cast %swap3A_592 : vector<16xf32> to vector<16xf32>
    %swap3A_594 = vector.shape_cast %broadcast_in_dim3A_11 : vector<16xf32> to vector<16xf32>
    tpu.vector_store %swap3A_590[%swap3A_591], %swap3A_594 {strides = array<i32>} : memref<128xf32, #tpu.memory_space<vmem>>, vector<16xf32>,
    %swap3A_595 = arith.constant 9 : i32
    %swap3A_596 = arith.constant 0 : i32
    %swap3A_597 = tpu.memref_slice %arg7[%swap3A_595, %swap3A_596] : memref<16x128xf32, #tpu.memory_space<vmem>> -> memref<1x128xf32, #tpu.memory_space<vmem>>
    %swap3A_598 = tpu.memref_squeeze %swap3A_597 : memref<1x128xf32, #tpu.memory_space<vmem>> -> memref<128xf32, #tpu.memory_space<vmem>>
    %swap3A_599 = arith.constant 16 : index
    %swap3A_600 = tpu.vector_load %swap3A_598[%swap3A_599] {strides = array<i32>} : memref<128xf32, #tpu.memory_space<vmem>>, vector<16xf32>,
    %swap3A_601 = vector.shape_cast %swap3A_600 : vector<16xf32> to vector<16xf32>
    %swap3A_602 = vector.shape_cast %broadcast_in_dim3A_11 : vector<16xf32> to vector<16xf32>
    tpu.vector_store %swap3A_598[%swap3A_599], %swap3A_602 {strides = array<i32>} : memref<128xf32, #tpu.memory_space<vmem>>, vector<16xf32>,
    %swap3A_603 = arith.constant 9 : i32
    %swap3A_604 = arith.constant 0 : i32
    %swap3A_605 = tpu.memref_slice %arg7[%swap3A_603, %swap3A_604] : memref<16x128xf32, #tpu.memory_space<vmem>> -> memref<1x128xf32, #tpu.memory_space<vmem>>
    %swap3A_606 = tpu.memref_squeeze %swap3A_605 : memref<1x128xf32, #tpu.memory_space<vmem>> -> memref<128xf32, #tpu.memory_space<vmem>>
    %swap3A_607 = arith.constant 32 : index
    %swap3A_608 = tpu.vector_load %swap3A_606[%swap3A_607] {strides = array<i32>} : memref<128xf32, #tpu.memory_space<vmem>>, vector<16xf32>,
    %swap3A_609 = vector.shape_cast %swap3A_608 : vector<16xf32> to vector<16xf32>
    %swap3A_610 = vector.shape_cast %broadcast_in_dim3A_11 : vector<16xf32> to vector<16xf32>
    tpu.vector_store %swap3A_606[%swap3A_607], %swap3A_610 {strides = array<i32>} : memref<128xf32, #tpu.memory_space<vmem>>, vector<16xf32>,
    %swap3A_611 = arith.constant 9 : i32
    %swap3A_612 = arith.constant 0 : i32
    %swap3A_613 = tpu.memref_slice %arg7[%swap3A_611, %swap3A_612] : memref<16x128xf32, #tpu.memory_space<vmem>> -> memref<1x128xf32, #tpu.memory_space<vmem>>
    %swap3A_614 = tpu.memref_squeeze %swap3A_613 : memref<1x128xf32, #tpu.memory_space<vmem>> -> memref<128xf32, #tpu.memory_space<vmem>>
    %swap3A_615 = arith.constant 48 : index
    %swap3A_616 = tpu.vector_load %swap3A_614[%swap3A_615] {strides = array<i32>} : memref<128xf32, #tpu.memory_space<vmem>>, vector<16xf32>,
    %swap3A_617 = vector.shape_cast %swap3A_616 : vector<16xf32> to vector<16xf32>
    %swap3A_618 = vector.shape_cast %broadcast_in_dim3A_11 : vector<16xf32> to vector<16xf32>
    tpu.vector_store %swap3A_614[%swap3A_615], %swap3A_618 {strides = array<i32>} : memref<128xf32, #tpu.memory_space<vmem>>, vector<16xf32>,
    %swap3A_619 = arith.constant 9 : i32
    %swap3A_620 = arith.constant 0 : i32
    %swap3A_621 = tpu.memref_slice %arg7[%swap3A_619, %swap3A_620] : memref<16x128xf32, #tpu.memory_space<vmem>> -> memref<1x128xf32, #tpu.memory_space<vmem>>
    %swap3A_622 = tpu.memref_squeeze %swap3A_621 : memref<1x128xf32, #tpu.memory_space<vmem>> -> memref<128xf32, #tpu.memory_space<vmem>>
    %swap3A_623 = arith.constant 64 : index
    %swap3A_624 = tpu.vector_load %swap3A_622[%swap3A_623] {strides = array<i32>} : memref<128xf32, #tpu.memory_space<vmem>>, vector<16xf32>,
    %swap3A_625 = vector.shape_cast %swap3A_624 : vector<16xf32> to vector<16xf32>
    %swap3A_626 = vector.shape_cast %broadcast_in_dim3A_11 : vector<16xf32> to vector<16xf32>
    tpu.vector_store %swap3A_622[%swap3A_623], %swap3A_626 {strides = array<i32>} : memref<128xf32, #tpu.memory_space<vmem>>, vector<16xf32>,
    %swap3A_627 = arith.constant 9 : i32
    %swap3A_628 = arith.constant 0 : i32
    %swap3A_629 = tpu.memref_slice %arg7[%swap3A_627, %swap3A_628] : memref<16x128xf32, #tpu.memory_space<vmem>> -> memref<1x128xf32, #tpu.memory_space<vmem>>
    %swap3A_630 = tpu.memref_squeeze %swap3A_629 : memref<1x128xf32, #tpu.memory_space<vmem>> -> memref<128xf32, #tpu.memory_space<vmem>>
    %swap3A_631 = arith.constant 80 : index
    %swap3A_632 = tpu.vector_load %swap3A_630[%swap3A_631] {strides = array<i32>} : memref<128xf32, #tpu.memory_space<vmem>>, vector<16xf32>,
    %swap3A_633 = vector.shape_cast %swap3A_632 : vector<16xf32> to vector<16xf32>
    %swap3A_634 = vector.shape_cast %broadcast_in_dim3A_11 : vector<16xf32> to vector<16xf32>
    tpu.vector_store %swap3A_630[%swap3A_631], %swap3A_634 {strides = array<i32>} : memref<128xf32, #tpu.memory_space<vmem>>, vector<16xf32>,
    %swap3A_635 = arith.constant 9 : i32
    %swap3A_636 = arith.constant 0 : i32
    %swap3A_637 = tpu.memref_slice %arg7[%swap3A_635, %swap3A_636] : memref<16x128xf32, #tpu.memory_space<vmem>> -> memref<1x128xf32, #tpu.memory_space<vmem>>
    %swap3A_638 = tpu.memref_squeeze %swap3A_637 : memref<1x128xf32, #tpu.memory_space<vmem>> -> memref<128xf32, #tpu.memory_space<vmem>>
    %swap3A_639 = arith.constant 96 : index
    %swap3A_640 = tpu.vector_load %swap3A_638[%swap3A_639] {strides = array<i32>} : memref<128xf32, #tpu.memory_space<vmem>>, vector<16xf32>,
    %swap3A_641 = vector.shape_cast %swap3A_640 : vector<16xf32> to vector<16xf32>
    %swap3A_642 = vector.shape_cast %broadcast_in_dim3A_11 : vector<16xf32> to vector<16xf32>
    tpu.vector_store %swap3A_638[%swap3A_639], %swap3A_642 {strides = array<i32>} : memref<128xf32, #tpu.memory_space<vmem>>, vector<16xf32>,
    %swap3A_643 = arith.constant 9 : i32
    %swap3A_644 = arith.constant 0 : i32
    %swap3A_645 = tpu.memref_slice %arg7[%swap3A_643, %swap3A_644] : memref<16x128xf32, #tpu.memory_space<vmem>> -> memref<1x128xf32, #tpu.memory_space<vmem>>
    %swap3A_646 = tpu.memref_squeeze %swap3A_645 : memref<1x128xf32, #tpu.memory_space<vmem>> -> memref<128xf32, #tpu.memory_space<vmem>>
    %swap3A_647 = arith.constant 112 : index
    %swap3A_648 = tpu.vector_load %swap3A_646[%swap3A_647] {strides = array<i32>} : memref<128xf32, #tpu.memory_space<vmem>>, vector<16xf32>,
    %swap3A_649 = vector.shape_cast %swap3A_648 : vector<16xf32> to vector<16xf32>
    %swap3A_650 = vector.shape_cast %broadcast_in_dim3A_11 : vector<16xf32> to vector<16xf32>
    tpu.vector_store %swap3A_646[%swap3A_647], %swap3A_650 {strides = array<i32>} : memref<128xf32, #tpu.memory_space<vmem>>, vector<16xf32>,
    %swap3A_651 = arith.constant 10 : i32
    %swap3A_652 = arith.constant 0 : i32
    %swap3A_653 = tpu.memref_slice %arg7[%swap3A_651, %swap3A_652] : memref<16x128xf32, #tpu.memory_space<vmem>> -> memref<1x128xf32, #tpu.memory_space<vmem>>
    %swap3A_654 = tpu.memref_squeeze %swap3A_653 : memref<1x128xf32, #tpu.memory_space<vmem>> -> memref<128xf32, #tpu.memory_space<vmem>>
    %swap3A_655 = arith.constant 0 : index
    %swap3A_656 = tpu.vector_load %swap3A_654[%swap3A_655] {strides = array<i32>} : memref<128xf32, #tpu.memory_space<vmem>>, vector<16xf32>,
    %swap3A_657 = vector.shape_cast %swap3A_656 : vector<16xf32> to vector<16xf32>
    %swap3A_658 = vector.shape_cast %broadcast_in_dim3A_11 : vector<16xf32> to vector<16xf32>
    tpu.vector_store %swap3A_654[%swap3A_655], %swap3A_658 {strides = array<i32>} : memref<128xf32, #tpu.memory_space<vmem>>, vector<16xf32>,
    %swap3A_659 = arith.constant 10 : i32
    %swap3A_660 = arith.constant 0 : i32
    %swap3A_661 = tpu.memref_slice %arg7[%swap3A_659, %swap3A_660] : memref<16x128xf32, #tpu.memory_space<vmem>> -> memref<1x128xf32, #tpu.memory_space<vmem>>
    %swap3A_662 = tpu.memref_squeeze %swap3A_661 : memref<1x128xf32, #tpu.memory_space<vmem>> -> memref<128xf32, #tpu.memory_space<vmem>>
    %swap3A_663 = arith.constant 16 : index
    %swap3A_664 = tpu.vector_load %swap3A_662[%swap3A_663] {strides = array<i32>} : memref<128xf32, #tpu.memory_space<vmem>>, vector<16xf32>,
    %swap3A_665 = vector.shape_cast %swap3A_664 : vector<16xf32> to vector<16xf32>
    %swap3A_666 = vector.shape_cast %broadcast_in_dim3A_11 : vector<16xf32> to vector<16xf32>
    tpu.vector_store %swap3A_662[%swap3A_663], %swap3A_666 {strides = array<i32>} : memref<128xf32, #tpu.memory_space<vmem>>, vector<16xf32>,
    %swap3A_667 = arith.constant 10 : i32
    %swap3A_668 = arith.constant 0 : i32
    %swap3A_669 = tpu.memref_slice %arg7[%swap3A_667, %swap3A_668] : memref<16x128xf32, #tpu.memory_space<vmem>> -> memref<1x128xf32, #tpu.memory_space<vmem>>
    %swap3A_670 = tpu.memref_squeeze %swap3A_669 : memref<1x128xf32, #tpu.memory_space<vmem>> -> memref<128xf32, #tpu.memory_space<vmem>>
    %swap3A_671 = arith.constant 32 : index
    %swap3A_672 = tpu.vector_load %swap3A_670[%swap3A_671] {strides = array<i32>} : memref<128xf32, #tpu.memory_space<vmem>>, vector<16xf32>,
    %swap3A_673 = vector.shape_cast %swap3A_672 : vector<16xf32> to vector<16xf32>
    %swap3A_674 = vector.shape_cast %broadcast_in_dim3A_11 : vector<16xf32> to vector<16xf32>
    tpu.vector_store %swap3A_670[%swap3A_671], %swap3A_674 {strides = array<i32>} : memref<128xf32, #tpu.memory_space<vmem>>, vector<16xf32>,
    %swap3A_675 = arith.constant 10 : i32
    %swap3A_676 = arith.constant 0 : i32
    %swap3A_677 = tpu.memref_slice %arg7[%swap3A_675, %swap3A_676] : memref<16x128xf32, #tpu.memory_space<vmem>> -> memref<1x128xf32, #tpu.memory_space<vmem>>
    %swap3A_678 = tpu.memref_squeeze %swap3A_677 : memref<1x128xf32, #tpu.memory_space<vmem>> -> memref<128xf32, #tpu.memory_space<vmem>>
    %swap3A_679 = arith.constant 48 : index
    %swap3A_680 = tpu.vector_load %swap3A_678[%swap3A_679] {strides = array<i32>} : memref<128xf32, #tpu.memory_space<vmem>>, vector<16xf32>,
    %swap3A_681 = vector.shape_cast %swap3A_680 : vector<16xf32> to vector<16xf32>
    %swap3A_682 = vector.shape_cast %broadcast_in_dim3A_11 : vector<16xf32> to vector<16xf32>
    tpu.vector_store %swap3A_678[%swap3A_679], %swap3A_682 {strides = array<i32>} : memref<128xf32, #tpu.memory_space<vmem>>, vector<16xf32>,
    %swap3A_683 = arith.constant 10 : i32
    %swap3A_684 = arith.constant 0 : i32
    %swap3A_685 = tpu.memref_slice %arg7[%swap3A_683, %swap3A_684] : memref<16x128xf32, #tpu.memory_space<vmem>> -> memref<1x128xf32, #tpu.memory_space<vmem>>
    %swap3A_686 = tpu.memref_squeeze %swap3A_685 : memref<1x128xf32, #tpu.memory_space<vmem>> -> memref<128xf32, #tpu.memory_space<vmem>>
    %swap3A_687 = arith.constant 64 : index
    %swap3A_688 = tpu.vector_load %swap3A_686[%swap3A_687] {strides = array<i32>} : memref<128xf32, #tpu.memory_space<vmem>>, vector<16xf32>,
    %swap3A_689 = vector.shape_cast %swap3A_688 : vector<16xf32> to vector<16xf32>
    %swap3A_690 = vector.shape_cast %broadcast_in_dim3A_11 : vector<16xf32> to vector<16xf32>
    tpu.vector_store %swap3A_686[%swap3A_687], %swap3A_690 {strides = array<i32>} : memref<128xf32, #tpu.memory_space<vmem>>, vector<16xf32>,
    %swap3A_691 = arith.constant 10 : i32
    %swap3A_692 = arith.constant 0 : i32
    %swap3A_693 = tpu.memref_slice %arg7[%swap3A_691, %swap3A_692] : memref<16x128xf32, #tpu.memory_space<vmem>> -> memref<1x128xf32, #tpu.memory_space<vmem>>
    %swap3A_694 = tpu.memref_squeeze %swap3A_693 : memref<1x128xf32, #tpu.memory_space<vmem>> -> memref<128xf32, #tpu.memory_space<vmem>>
    %swap3A_695 = arith.constant 80 : index
    %swap3A_696 = tpu.vector_load %swap3A_694[%swap3A_695] {strides = array<i32>} : memref<128xf32, #tpu.memory_space<vmem>>, vector<16xf32>,
    %swap3A_697 = vector.shape_cast %swap3A_696 : vector<16xf32> to vector<16xf32>
    %swap3A_698 = vector.shape_cast %broadcast_in_dim3A_11 : vector<16xf32> to vector<16xf32>
    tpu.vector_store %swap3A_694[%swap3A_695], %swap3A_698 {strides = array<i32>} : memref<128xf32, #tpu.memory_space<vmem>>, vector<16xf32>,
    %swap3A_699 = arith.constant 10 : i32
    %swap3A_700 = arith.constant 0 : i32
    %swap3A_701 = tpu.memref_slice %arg7[%swap3A_699, %swap3A_700] : memref<16x128xf32, #tpu.memory_space<vmem>> -> memref<1x128xf32, #tpu.memory_space<vmem>>
    %swap3A_702 = tpu.memref_squeeze %swap3A_701 : memref<1x128xf32, #tpu.memory_space<vmem>> -> memref<128xf32, #tpu.memory_space<vmem>>
    %swap3A_703 = arith.constant 96 : index
    %swap3A_704 = tpu.vector_load %swap3A_702[%swap3A_703] {strides = array<i32>} : memref<128xf32, #tpu.memory_space<vmem>>, vector<16xf32>,
    %swap3A_705 = vector.shape_cast %swap3A_704 : vector<16xf32> to vector<16xf32>
    %swap3A_706 = vector.shape_cast %broadcast_in_dim3A_11 : vector<16xf32> to vector<16xf32>
    tpu.vector_store %swap3A_702[%swap3A_703], %swap3A_706 {strides = array<i32>} : memref<128xf32, #tpu.memory_space<vmem>>, vector<16xf32>,
    %swap3A_707 = arith.constant 10 : i32
    %swap3A_708 = arith.constant 0 : i32
    %swap3A_709 = tpu.memref_slice %arg7[%swap3A_707, %swap3A_708] : memref<16x128xf32, #tpu.memory_space<vmem>> -> memref<1x128xf32, #tpu.memory_space<vmem>>
    %swap3A_710 = tpu.memref_squeeze %swap3A_709 : memref<1x128xf32, #tpu.memory_space<vmem>> -> memref<128xf32, #tpu.memory_space<vmem>>
    %swap3A_711 = arith.constant 112 : index
    %swap3A_712 = tpu.vector_load %swap3A_710[%swap3A_711] {strides = array<i32>} : memref<128xf32, #tpu.memory_space<vmem>>, vector<16xf32>,
    %swap3A_713 = vector.shape_cast %swap3A_712 : vector<16xf32> to vector<16xf32>
    %swap3A_714 = vector.shape_cast %broadcast_in_dim3A_11 : vector<16xf32> to vector<16xf32>
    tpu.vector_store %swap3A_710[%swap3A_711], %swap3A_714 {strides = array<i32>} : memref<128xf32, #tpu.memory_space<vmem>>, vector<16xf32>,
    %swap3A_715 = arith.constant 11 : i32
    %swap3A_716 = arith.constant 0 : i32
    %swap3A_717 = tpu.memref_slice %arg7[%swap3A_715, %swap3A_716] : memref<16x128xf32, #tpu.memory_space<vmem>> -> memref<1x128xf32, #tpu.memory_space<vmem>>
    %swap3A_718 = tpu.memref_squeeze %swap3A_717 : memref<1x128xf32, #tpu.memory_space<vmem>> -> memref<128xf32, #tpu.memory_space<vmem>>
    %swap3A_719 = arith.constant 0 : index
    %swap3A_720 = tpu.vector_load %swap3A_718[%swap3A_719] {strides = array<i32>} : memref<128xf32, #tpu.memory_space<vmem>>, vector<16xf32>,
    %swap3A_721 = vector.shape_cast %swap3A_720 : vector<16xf32> to vector<16xf32>
    %swap3A_722 = vector.shape_cast %broadcast_in_dim3A_11 : vector<16xf32> to vector<16xf32>
    tpu.vector_store %swap3A_718[%swap3A_719], %swap3A_722 {strides = array<i32>} : memref<128xf32, #tpu.memory_space<vmem>>, vector<16xf32>,
    %swap3A_723 = arith.constant 11 : i32
    %swap3A_724 = arith.constant 0 : i32
    %swap3A_725 = tpu.memref_slice %arg7[%swap3A_723, %swap3A_724] : memref<16x128xf32, #tpu.memory_space<vmem>> -> memref<1x128xf32, #tpu.memory_space<vmem>>
    %swap3A_726 = tpu.memref_squeeze %swap3A_725 : memref<1x128xf32, #tpu.memory_space<vmem>> -> memref<128xf32, #tpu.memory_space<vmem>>
    %swap3A_727 = arith.constant 16 : index
    %swap3A_728 = tpu.vector_load %swap3A_726[%swap3A_727] {strides = array<i32>} : memref<128xf32, #tpu.memory_space<vmem>>, vector<16xf32>,
    %swap3A_729 = vector.shape_cast %swap3A_728 : vector<16xf32> to vector<16xf32>
    %swap3A_730 = vector.shape_cast %broadcast_in_dim3A_11 : vector<16xf32> to vector<16xf32>
    tpu.vector_store %swap3A_726[%swap3A_727], %swap3A_730 {strides = array<i32>} : memref<128xf32, #tpu.memory_space<vmem>>, vector<16xf32>,
    %swap3A_731 = arith.constant 11 : i32
    %swap3A_732 = arith.constant 0 : i32
    %swap3A_733 = tpu.memref_slice %arg7[%swap3A_731, %swap3A_732] : memref<16x128xf32, #tpu.memory_space<vmem>> -> memref<1x128xf32, #tpu.memory_space<vmem>>
    %swap3A_734 = tpu.memref_squeeze %swap3A_733 : memref<1x128xf32, #tpu.memory_space<vmem>> -> memref<128xf32, #tpu.memory_space<vmem>>
    %swap3A_735 = arith.constant 32 : index
    %swap3A_736 = tpu.vector_load %swap3A_734[%swap3A_735] {strides = array<i32>} : memref<128xf32, #tpu.memory_space<vmem>>, vector<16xf32>,
    %swap3A_737 = vector.shape_cast %swap3A_736 : vector<16xf32> to vector<16xf32>
    %swap3A_738 = vector.shape_cast %broadcast_in_dim3A_11 : vector<16xf32> to vector<16xf32>
    tpu.vector_store %swap3A_734[%swap3A_735], %swap3A_738 {strides = array<i32>} : memref<128xf32, #tpu.memory_space<vmem>>, vector<16xf32>,
    %swap3A_739 = arith.constant 11 : i32
    %swap3A_740 = arith.constant 0 : i32
    %swap3A_741 = tpu.memref_slice %arg7[%swap3A_739, %swap3A_740] : memref<16x128xf32, #tpu.memory_space<vmem>> -> memref<1x128xf32, #tpu.memory_space<vmem>>
    %swap3A_742 = tpu.memref_squeeze %swap3A_741 : memref<1x128xf32, #tpu.memory_space<vmem>> -> memref<128xf32, #tpu.memory_space<vmem>>
    %swap3A_743 = arith.constant 48 : index
    %swap3A_744 = tpu.vector_load %swap3A_742[%swap3A_743] {strides = array<i32>} : memref<128xf32, #tpu.memory_space<vmem>>, vector<16xf32>,
    %swap3A_745 = vector.shape_cast %swap3A_744 : vector<16xf32> to vector<16xf32>
    %swap3A_746 = vector.shape_cast %broadcast_in_dim3A_11 : vector<16xf32> to vector<16xf32>
    tpu.vector_store %swap3A_742[%swap3A_743], %swap3A_746 {strides = array<i32>} : memref<128xf32, #tpu.memory_space<vmem>>, vector<16xf32>,
    %swap3A_747 = arith.constant 11 : i32
    %swap3A_748 = arith.constant 0 : i32
    %swap3A_749 = tpu.memref_slice %arg7[%swap3A_747, %swap3A_748] : memref<16x128xf32, #tpu.memory_space<vmem>> -> memref<1x128xf32, #tpu.memory_space<vmem>>
    %swap3A_750 = tpu.memref_squeeze %swap3A_749 : memref<1x128xf32, #tpu.memory_space<vmem>> -> memref<128xf32, #tpu.memory_space<vmem>>
    %swap3A_751 = arith.constant 64 : index
    %swap3A_752 = tpu.vector_load %swap3A_750[%swap3A_751] {strides = array<i32>} : memref<128xf32, #tpu.memory_space<vmem>>, vector<16xf32>,
    %swap3A_753 = vector.shape_cast %swap3A_752 : vector<16xf32> to vector<16xf32>
    %swap3A_754 = vector.shape_cast %broadcast_in_dim3A_11 : vector<16xf32> to vector<16xf32>
    tpu.vector_store %swap3A_750[%swap3A_751], %swap3A_754 {strides = array<i32>} : memref<128xf32, #tpu.memory_space<vmem>>, vector<16xf32>,
    %swap3A_755 = arith.constant 11 : i32
    %swap3A_756 = arith.constant 0 : i32
    %swap3A_757 = tpu.memref_slice %arg7[%swap3A_755, %swap3A_756] : memref<16x128xf32, #tpu.memory_space<vmem>> -> memref<1x128xf32, #tpu.memory_space<vmem>>
    %swap3A_758 = tpu.memref_squeeze %swap3A_757 : memref<1x128xf32, #tpu.memory_space<vmem>> -> memref<128xf32, #tpu.memory_space<vmem>>
    %swap3A_759 = arith.constant 80 : index
    %swap3A_760 = tpu.vector_load %swap3A_758[%swap3A_759] {strides = array<i32>} : memref<128xf32, #tpu.memory_space<vmem>>, vector<16xf32>,
    %swap3A_761 = vector.shape_cast %swap3A_760 : vector<16xf32> to vector<16xf32>
    %swap3A_762 = vector.shape_cast %broadcast_in_dim3A_11 : vector<16xf32> to vector<16xf32>
    tpu.vector_store %swap3A_758[%swap3A_759], %swap3A_762 {strides = array<i32>} : memref<128xf32, #tpu.memory_space<vmem>>, vector<16xf32>,
    %swap3A_763 = arith.constant 11 : i32
    %swap3A_764 = arith.constant 0 : i32
    %swap3A_765 = tpu.memref_slice %arg7[%swap3A_763, %swap3A_764] : memref<16x128xf32, #tpu.memory_space<vmem>> -> memref<1x128xf32, #tpu.memory_space<vmem>>
    %swap3A_766 = tpu.memref_squeeze %swap3A_765 : memref<1x128xf32, #tpu.memory_space<vmem>> -> memref<128xf32, #tpu.memory_space<vmem>>
    %swap3A_767 = arith.constant 96 : index
    %swap3A_768 = tpu.vector_load %swap3A_766[%swap3A_767] {strides = array<i32>} : memref<128xf32, #tpu.memory_space<vmem>>, vector<16xf32>,
    %swap3A_769 = vector.shape_cast %swap3A_768 : vector<16xf32> to vector<16xf32>
    %swap3A_770 = vector.shape_cast %broadcast_in_dim3A_11 : vector<16xf32> to vector<16xf32>
    tpu.vector_store %swap3A_766[%swap3A_767], %swap3A_770 {strides = array<i32>} : memref<128xf32, #tpu.memory_space<vmem>>, vector<16xf32>,
    %swap3A_771 = arith.constant 11 : i32
    %swap3A_772 = arith.constant 0 : i32
    %swap3A_773 = tpu.memref_slice %arg7[%swap3A_771, %swap3A_772] : memref<16x128xf32, #tpu.memory_space<vmem>> -> memref<1x128xf32, #tpu.memory_space<vmem>>
    %swap3A_774 = tpu.memref_squeeze %swap3A_773 : memref<1x128xf32, #tpu.memory_space<vmem>> -> memref<128xf32, #tpu.memory_space<vmem>>
    %swap3A_775 = arith.constant 112 : index
    %swap3A_776 = tpu.vector_load %swap3A_774[%swap3A_775] {strides = array<i32>} : memref<128xf32, #tpu.memory_space<vmem>>, vector<16xf32>,
    %swap3A_777 = vector.shape_cast %swap3A_776 : vector<16xf32> to vector<16xf32>
    %swap3A_778 = vector.shape_cast %broadcast_in_dim3A_11 : vector<16xf32> to vector<16xf32>
    tpu.vector_store %swap3A_774[%swap3A_775], %swap3A_778 {strides = array<i32>} : memref<128xf32, #tpu.memory_space<vmem>>, vector<16xf32>,
    %swap3A_779 = arith.constant 12 : i32
    %swap3A_780 = arith.constant 0 : i32
    %swap3A_781 = tpu.memref_slice %arg7[%swap3A_779, %swap3A_780] : memref<16x128xf32, #tpu.memory_space<vmem>> -> memref<1x128xf32, #tpu.memory_space<vmem>>
    %swap3A_782 = tpu.memref_squeeze %swap3A_781 : memref<1x128xf32, #tpu.memory_space<vmem>> -> memref<128xf32, #tpu.memory_space<vmem>>
    %swap3A_783 = arith.constant 0 : index
    %swap3A_784 = tpu.vector_load %swap3A_782[%swap3A_783] {strides = array<i32>} : memref<128xf32, #tpu.memory_space<vmem>>, vector<16xf32>,
    %swap3A_785 = vector.shape_cast %swap3A_784 : vector<16xf32> to vector<16xf32>
    %swap3A_786 = vector.shape_cast %broadcast_in_dim3A_11 : vector<16xf32> to vector<16xf32>
    tpu.vector_store %swap3A_782[%swap3A_783], %swap3A_786 {strides = array<i32>} : memref<128xf32, #tpu.memory_space<vmem>>, vector<16xf32>,
    %swap3A_787 = arith.constant 12 : i32
    %swap3A_788 = arith.constant 0 : i32
    %swap3A_789 = tpu.memref_slice %arg7[%swap3A_787, %swap3A_788] : memref<16x128xf32, #tpu.memory_space<vmem>> -> memref<1x128xf32, #tpu.memory_space<vmem>>
    %swap3A_790 = tpu.memref_squeeze %swap3A_789 : memref<1x128xf32, #tpu.memory_space<vmem>> -> memref<128xf32, #tpu.memory_space<vmem>>
    %swap3A_791 = arith.constant 16 : index
    %swap3A_792 = tpu.vector_load %swap3A_790[%swap3A_791] {strides = array<i32>} : memref<128xf32, #tpu.memory_space<vmem>>, vector<16xf32>,
    %swap3A_793 = vector.shape_cast %swap3A_792 : vector<16xf32> to vector<16xf32>
    %swap3A_794 = vector.shape_cast %broadcast_in_dim3A_11 : vector<16xf32> to vector<16xf32>
    tpu.vector_store %swap3A_790[%swap3A_791], %swap3A_794 {strides = array<i32>} : memref<128xf32, #tpu.memory_space<vmem>>, vector<16xf32>,
    %swap3A_795 = arith.constant 12 : i32
    %swap3A_796 = arith.constant 0 : i32
    %swap3A_797 = tpu.memref_slice %arg7[%swap3A_795, %swap3A_796] : memref<16x128xf32, #tpu.memory_space<vmem>> -> memref<1x128xf32, #tpu.memory_space<vmem>>
    %swap3A_798 = tpu.memref_squeeze %swap3A_797 : memref<1x128xf32, #tpu.memory_space<vmem>> -> memref<128xf32, #tpu.memory_space<vmem>>
    %swap3A_799 = arith.constant 32 : index
    %swap3A_800 = tpu.vector_load %swap3A_798[%swap3A_799] {strides = array<i32>} : memref<128xf32, #tpu.memory_space<vmem>>, vector<16xf32>,
    %swap3A_801 = vector.shape_cast %swap3A_800 : vector<16xf32> to vector<16xf32>
    %swap3A_802 = vector.shape_cast %broadcast_in_dim3A_11 : vector<16xf32> to vector<16xf32>
    tpu.vector_store %swap3A_798[%swap3A_799], %swap3A_802 {strides = array<i32>} : memref<128xf32, #tpu.memory_space<vmem>>, vector<16xf32>,
    %swap3A_803 = arith.constant 12 : i32
    %swap3A_804 = arith.constant 0 : i32
    %swap3A_805 = tpu.memref_slice %arg7[%swap3A_803, %swap3A_804] : memref<16x128xf32, #tpu.memory_space<vmem>> -> memref<1x128xf32, #tpu.memory_space<vmem>>
    %swap3A_806 = tpu.memref_squeeze %swap3A_805 : memref<1x128xf32, #tpu.memory_space<vmem>> -> memref<128xf32, #tpu.memory_space<vmem>>
    %swap3A_807 = arith.constant 48 : index
    %swap3A_808 = tpu.vector_load %swap3A_806[%swap3A_807] {strides = array<i32>} : memref<128xf32, #tpu.memory_space<vmem>>, vector<16xf32>,
    %swap3A_809 = vector.shape_cast %swap3A_808 : vector<16xf32> to vector<16xf32>
    %swap3A_810 = vector.shape_cast %broadcast_in_dim3A_11 : vector<16xf32> to vector<16xf32>
    tpu.vector_store %swap3A_806[%swap3A_807], %swap3A_810 {strides = array<i32>} : memref<128xf32, #tpu.memory_space<vmem>>, vector<16xf32>,
    %swap3A_811 = arith.constant 12 : i32
    %swap3A_812 = arith.constant 0 : i32
    %swap3A_813 = tpu.memref_slice %arg7[%swap3A_811, %swap3A_812] : memref<16x128xf32, #tpu.memory_space<vmem>> -> memref<1x128xf32, #tpu.memory_space<vmem>>
    %swap3A_814 = tpu.memref_squeeze %swap3A_813 : memref<1x128xf32, #tpu.memory_space<vmem>> -> memref<128xf32, #tpu.memory_space<vmem>>
    %swap3A_815 = arith.constant 64 : index
    %swap3A_816 = tpu.vector_load %swap3A_814[%swap3A_815] {strides = array<i32>} : memref<128xf32, #tpu.memory_space<vmem>>, vector<16xf32>,
    %swap3A_817 = vector.shape_cast %swap3A_816 : vector<16xf32> to vector<16xf32>
    %swap3A_818 = vector.shape_cast %broadcast_in_dim3A_11 : vector<16xf32> to vector<16xf32>
    tpu.vector_store %swap3A_814[%swap3A_815], %swap3A_818 {strides = array<i32>} : memref<128xf32, #tpu.memory_space<vmem>>, vector<16xf32>,
    %swap3A_819 = arith.constant 12 : i32
    %swap3A_820 = arith.constant 0 : i32
    %swap3A_821 = tpu.memref_slice %arg7[%swap3A_819, %swap3A_820] : memref<16x128xf32, #tpu.memory_space<vmem>> -> memref<1x128xf32, #tpu.memory_space<vmem>>
    %swap3A_822 = tpu.memref_squeeze %swap3A_821 : memref<1x128xf32, #tpu.memory_space<vmem>> -> memref<128xf32, #tpu.memory_space<vmem>>
    %swap3A_823 = arith.constant 80 : index
    %swap3A_824 = tpu.vector_load %swap3A_822[%swap3A_823] {strides = array<i32>} : memref<128xf32, #tpu.memory_space<vmem>>, vector<16xf32>,
    %swap3A_825 = vector.shape_cast %swap3A_824 : vector<16xf32> to vector<16xf32>
    %swap3A_826 = vector.shape_cast %broadcast_in_dim3A_11 : vector<16xf32> to vector<16xf32>
    tpu.vector_store %swap3A_822[%swap3A_823], %swap3A_826 {strides = array<i32>} : memref<128xf32, #tpu.memory_space<vmem>>, vector<16xf32>,
    %swap3A_827 = arith.constant 12 : i32
    %swap3A_828 = arith.constant 0 : i32
    %swap3A_829 = tpu.memref_slice %arg7[%swap3A_827, %swap3A_828] : memref<16x128xf32, #tpu.memory_space<vmem>> -> memref<1x128xf32, #tpu.memory_space<vmem>>
    %swap3A_830 = tpu.memref_squeeze %swap3A_829 : memref<1x128xf32, #tpu.memory_space<vmem>> -> memref<128xf32, #tpu.memory_space<vmem>>
    %swap3A_831 = arith.constant 96 : index
    %swap3A_832 = tpu.vector_load %swap3A_830[%swap3A_831] {strides = array<i32>} : memref<128xf32, #tpu.memory_space<vmem>>, vector<16xf32>,
    %swap3A_833 = vector.shape_cast %swap3A_832 : vector<16xf32> to vector<16xf32>
    %swap3A_834 = vector.shape_cast %broadcast_in_dim3A_11 : vector<16xf32> to vector<16xf32>
    tpu.vector_store %swap3A_830[%swap3A_831], %swap3A_834 {strides = array<i32>} : memref<128xf32, #tpu.memory_space<vmem>>, vector<16xf32>,
    %swap3A_835 = arith.constant 12 : i32
    %swap3A_836 = arith.constant 0 : i32
    %swap3A_837 = tpu.memref_slice %arg7[%swap3A_835, %swap3A_836] : memref<16x128xf32, #tpu.memory_space<vmem>> -> memref<1x128xf32, #tpu.memory_space<vmem>>
    %swap3A_838 = tpu.memref_squeeze %swap3A_837 : memref<1x128xf32, #tpu.memory_space<vmem>> -> memref<128xf32, #tpu.memory_space<vmem>>
    %swap3A_839 = arith.constant 112 : index
    %swap3A_840 = tpu.vector_load %swap3A_838[%swap3A_839] {strides = array<i32>} : memref<128xf32, #tpu.memory_space<vmem>>, vector<16xf32>,
    %swap3A_841 = vector.shape_cast %swap3A_840 : vector<16xf32> to vector<16xf32>
    %swap3A_842 = vector.shape_cast %broadcast_in_dim3A_11 : vector<16xf32> to vector<16xf32>
    tpu.vector_store %swap3A_838[%swap3A_839], %swap3A_842 {strides = array<i32>} : memref<128xf32, #tpu.memory_space<vmem>>, vector<16xf32>,
    %swap3A_843 = arith.constant 13 : i32
    %swap3A_844 = arith.constant 0 : i32
    %swap3A_845 = tpu.memref_slice %arg7[%swap3A_843, %swap3A_844] : memref<16x128xf32, #tpu.memory_space<vmem>> -> memref<1x128xf32, #tpu.memory_space<vmem>>
    %swap3A_846 = tpu.memref_squeeze %swap3A_845 : memref<1x128xf32, #tpu.memory_space<vmem>> -> memref<128xf32, #tpu.memory_space<vmem>>
    %swap3A_847 = arith.constant 0 : index
    %swap3A_848 = tpu.vector_load %swap3A_846[%swap3A_847] {strides = array<i32>} : memref<128xf32, #tpu.memory_space<vmem>>, vector<16xf32>,
    %swap3A_849 = vector.shape_cast %swap3A_848 : vector<16xf32> to vector<16xf32>
    %swap3A_850 = vector.shape_cast %broadcast_in_dim3A_11 : vector<16xf32> to vector<16xf32>
    tpu.vector_store %swap3A_846[%swap3A_847], %swap3A_850 {strides = array<i32>} : memref<128xf32, #tpu.memory_space<vmem>>, vector<16xf32>,
    %swap3A_851 = arith.constant 13 : i32
    %swap3A_852 = arith.constant 0 : i32
    %swap3A_853 = tpu.memref_slice %arg7[%swap3A_851, %swap3A_852] : memref<16x128xf32, #tpu.memory_space<vmem>> -> memref<1x128xf32, #tpu.memory_space<vmem>>
    %swap3A_854 = tpu.memref_squeeze %swap3A_853 : memref<1x128xf32, #tpu.memory_space<vmem>> -> memref<128xf32, #tpu.memory_space<vmem>>
    %swap3A_855 = arith.constant 16 : index
    %swap3A_856 = tpu.vector_load %swap3A_854[%swap3A_855] {strides = array<i32>} : memref<128xf32, #tpu.memory_space<vmem>>, vector<16xf32>,
    %swap3A_857 = vector.shape_cast %swap3A_856 : vector<16xf32> to vector<16xf32>
    %swap3A_858 = vector.shape_cast %broadcast_in_dim3A_11 : vector<16xf32> to vector<16xf32>
    tpu.vector_store %swap3A_854[%swap3A_855], %swap3A_858 {strides = array<i32>} : memref<128xf32, #tpu.memory_space<vmem>>, vector<16xf32>,
    %swap3A_859 = arith.constant 13 : i32
    %swap3A_860 = arith.constant 0 : i32
    %swap3A_861 = tpu.memref_slice %arg7[%swap3A_859, %swap3A_860] : memref<16x128xf32, #tpu.memory_space<vmem>> -> memref<1x128xf32, #tpu.memory_space<vmem>>
    %swap3A_862 = tpu.memref_squeeze %swap3A_861 : memref<1x128xf32, #tpu.memory_space<vmem>> -> memref<128xf32, #tpu.memory_space<vmem>>
    %swap3A_863 = arith.constant 32 : index
    %swap3A_864 = tpu.vector_load %swap3A_862[%swap3A_863] {strides = array<i32>} : memref<128xf32, #tpu.memory_space<vmem>>, vector<16xf32>,
    %swap3A_865 = vector.shape_cast %swap3A_864 : vector<16xf32> to vector<16xf32>
    %swap3A_866 = vector.shape_cast %broadcast_in_dim3A_11 : vector<16xf32> to vector<16xf32>
    tpu.vector_store %swap3A_862[%swap3A_863], %swap3A_866 {strides = array<i32>} : memref<128xf32, #tpu.memory_space<vmem>>, vector<16xf32>,
    %swap3A_867 = arith.constant 13 : i32
    %swap3A_868 = arith.constant 0 : i32
    %swap3A_869 = tpu.memref_slice %arg7[%swap3A_867, %swap3A_868] : memref<16x128xf32, #tpu.memory_space<vmem>> -> memref<1x128xf32, #tpu.memory_space<vmem>>
    %swap3A_870 = tpu.memref_squeeze %swap3A_869 : memref<1x128xf32, #tpu.memory_space<vmem>> -> memref<128xf32, #tpu.memory_space<vmem>>
    %swap3A_871 = arith.constant 48 : index
    %swap3A_872 = tpu.vector_load %swap3A_870[%swap3A_871] {strides = array<i32>} : memref<128xf32, #tpu.memory_space<vmem>>, vector<16xf32>,
    %swap3A_873 = vector.shape_cast %swap3A_872 : vector<16xf32> to vector<16xf32>
    %swap3A_874 = vector.shape_cast %broadcast_in_dim3A_11 : vector<16xf32> to vector<16xf32>
    tpu.vector_store %swap3A_870[%swap3A_871], %swap3A_874 {strides = array<i32>} : memref<128xf32, #tpu.memory_space<vmem>>, vector<16xf32>,
    %swap3A_875 = arith.constant 13 : i32
    %swap3A_876 = arith.constant 0 : i32
    %swap3A_877 = tpu.memref_slice %arg7[%swap3A_875, %swap3A_876] : memref<16x128xf32, #tpu.memory_space<vmem>> -> memref<1x128xf32, #tpu.memory_space<vmem>>
    %swap3A_878 = tpu.memref_squeeze %swap3A_877 : memref<1x128xf32, #tpu.memory_space<vmem>> -> memref<128xf32, #tpu.memory_space<vmem>>
    %swap3A_879 = arith.constant 64 : index
    %swap3A_880 = tpu.vector_load %swap3A_878[%swap3A_879] {strides = array<i32>} : memref<128xf32, #tpu.memory_space<vmem>>, vector<16xf32>,
    %swap3A_881 = vector.shape_cast %swap3A_880 : vector<16xf32> to vector<16xf32>
    %swap3A_882 = vector.shape_cast %broadcast_in_dim3A_11 : vector<16xf32> to vector<16xf32>
    tpu.vector_store %swap3A_878[%swap3A_879], %swap3A_882 {strides = array<i32>} : memref<128xf32, #tpu.memory_space<vmem>>, vector<16xf32>,
    %swap3A_883 = arith.constant 13 : i32
    %swap3A_884 = arith.constant 0 : i32
    %swap3A_885 = tpu.memref_slice %arg7[%swap3A_883, %swap3A_884] : memref<16x128xf32, #tpu.memory_space<vmem>> -> memref<1x128xf32, #tpu.memory_space<vmem>>
    %swap3A_886 = tpu.memref_squeeze %swap3A_885 : memref<1x128xf32, #tpu.memory_space<vmem>> -> memref<128xf32, #tpu.memory_space<vmem>>
    %swap3A_887 = arith.constant 80 : index
    %swap3A_888 = tpu.vector_load %swap3A_886[%swap3A_887] {strides = array<i32>} : memref<128xf32, #tpu.memory_space<vmem>>, vector<16xf32>,
    %swap3A_889 = vector.shape_cast %swap3A_888 : vector<16xf32> to vector<16xf32>
    %swap3A_890 = vector.shape_cast %broadcast_in_dim3A_11 : vector<16xf32> to vector<16xf32>
    tpu.vector_store %swap3A_886[%swap3A_887], %swap3A_890 {strides = array<i32>} : memref<128xf32, #tpu.memory_space<vmem>>, vector<16xf32>,
    %swap3A_891 = arith.constant 13 : i32
    %swap3A_892 = arith.constant 0 : i32
    %swap3A_893 = tpu.memref_slice %arg7[%swap3A_891, %swap3A_892] : memref<16x128xf32, #tpu.memory_space<vmem>> -> memref<1x128xf32, #tpu.memory_space<vmem>>
    %swap3A_894 = tpu.memref_squeeze %swap3A_893 : memref<1x128xf32, #tpu.memory_space<vmem>> -> memref<128xf32, #tpu.memory_space<vmem>>
    %swap3A_895 = arith.constant 96 : index
    %swap3A_896 = tpu.vector_load %swap3A_894[%swap3A_895] {strides = array<i32>} : memref<128xf32, #tpu.memory_space<vmem>>, vector<16xf32>,
    %swap3A_897 = vector.shape_cast %swap3A_896 : vector<16xf32> to vector<16xf32>
    %swap3A_898 = vector.shape_cast %broadcast_in_dim3A_11 : vector<16xf32> to vector<16xf32>
    tpu.vector_store %swap3A_894[%swap3A_895], %swap3A_898 {strides = array<i32>} : memref<128xf32, #tpu.memory_space<vmem>>, vector<16xf32>,
    %swap3A_899 = arith.constant 13 : i32
    %swap3A_900 = arith.constant 0 : i32
    %swap3A_901 = tpu.memref_slice %arg7[%swap3A_899, %swap3A_900] : memref<16x128xf32, #tpu.memory_space<vmem>> -> memref<1x128xf32, #tpu.memory_space<vmem>>
    %swap3A_902 = tpu.memref_squeeze %swap3A_901 : memref<1x128xf32, #tpu.memory_space<vmem>> -> memref<128xf32, #tpu.memory_space<vmem>>
    %swap3A_903 = arith.constant 112 : index
    %swap3A_904 = tpu.vector_load %swap3A_902[%swap3A_903] {strides = array<i32>} : memref<128xf32, #tpu.memory_space<vmem>>, vector<16xf32>,
    %swap3A_905 = vector.shape_cast %swap3A_904 : vector<16xf32> to vector<16xf32>
    %swap3A_906 = vector.shape_cast %broadcast_in_dim3A_11 : vector<16xf32> to vector<16xf32>
    tpu.vector_store %swap3A_902[%swap3A_903], %swap3A_906 {strides = array<i32>} : memref<128xf32, #tpu.memory_space<vmem>>, vector<16xf32>,
    %swap3A_907 = arith.constant 14 : i32
    %swap3A_908 = arith.constant 0 : i32
    %swap3A_909 = tpu.memref_slice %arg7[%swap3A_907, %swap3A_908] : memref<16x128xf32, #tpu.memory_space<vmem>> -> memref<1x128xf32, #tpu.memory_space<vmem>>
    %swap3A_910 = tpu.memref_squeeze %swap3A_909 : memref<1x128xf32, #tpu.memory_space<vmem>> -> memref<128xf32, #tpu.memory_space<vmem>>
    %swap3A_911 = arith.constant 0 : index
    %swap3A_912 = tpu.vector_load %swap3A_910[%swap3A_911] {strides = array<i32>} : memref<128xf32, #tpu.memory_space<vmem>>, vector<16xf32>,
    %swap3A_913 = vector.shape_cast %swap3A_912 : vector<16xf32> to vector<16xf32>
    %swap3A_914 = vector.shape_cast %broadcast_in_dim3A_11 : vector<16xf32> to vector<16xf32>
    tpu.vector_store %swap3A_910[%swap3A_911], %swap3A_914 {strides = array<i32>} : memref<128xf32, #tpu.memory_space<vmem>>, vector<16xf32>,
    %swap3A_915 = arith.constant 14 : i32
    %swap3A_916 = arith.constant 0 : i32
    %swap3A_917 = tpu.memref_slice %arg7[%swap3A_915, %swap3A_916] : memref<16x128xf32, #tpu.memory_space<vmem>> -> memref<1x128xf32, #tpu.memory_space<vmem>>
    %swap3A_918 = tpu.memref_squeeze %swap3A_917 : memref<1x128xf32, #tpu.memory_space<vmem>> -> memref<128xf32, #tpu.memory_space<vmem>>
    %swap3A_919 = arith.constant 16 : index
    %swap3A_920 = tpu.vector_load %swap3A_918[%swap3A_919] {strides = array<i32>} : memref<128xf32, #tpu.memory_space<vmem>>, vector<16xf32>,
    %swap3A_921 = vector.shape_cast %swap3A_920 : vector<16xf32> to vector<16xf32>
    %swap3A_922 = vector.shape_cast %broadcast_in_dim3A_11 : vector<16xf32> to vector<16xf32>
    tpu.vector_store %swap3A_918[%swap3A_919], %swap3A_922 {strides = array<i32>} : memref<128xf32, #tpu.memory_space<vmem>>, vector<16xf32>,
    %swap3A_923 = arith.constant 14 : i32
    %swap3A_924 = arith.constant 0 : i32
    %swap3A_925 = tpu.memref_slice %arg7[%swap3A_923, %swap3A_924] : memref<16x128xf32, #tpu.memory_space<vmem>> -> memref<1x128xf32, #tpu.memory_space<vmem>>
    %swap3A_926 = tpu.memref_squeeze %swap3A_925 : memref<1x128xf32, #tpu.memory_space<vmem>> -> memref<128xf32, #tpu.memory_space<vmem>>
    %swap3A_927 = arith.constant 32 : index
    %swap3A_928 = tpu.vector_load %swap3A_926[%swap3A_927] {strides = array<i32>} : memref<128xf32, #tpu.memory_space<vmem>>, vector<16xf32>,
    %swap3A_929 = vector.shape_cast %swap3A_928 : vector<16xf32> to vector<16xf32>
    %swap3A_930 = vector.shape_cast %broadcast_in_dim3A_11 : vector<16xf32> to vector<16xf32>
    tpu.vector_store %swap3A_926[%swap3A_927], %swap3A_930 {strides = array<i32>} : memref<128xf32, #tpu.memory_space<vmem>>, vector<16xf32>,
    %swap3A_931 = arith.constant 14 : i32
    %swap3A_932 = arith.constant 0 : i32
    %swap3A_933 = tpu.memref_slice %arg7[%swap3A_931, %swap3A_932] : memref<16x128xf32, #tpu.memory_space<vmem>> -> memref<1x128xf32, #tpu.memory_space<vmem>>
    %swap3A_934 = tpu.memref_squeeze %swap3A_933 : memref<1x128xf32, #tpu.memory_space<vmem>> -> memref<128xf32, #tpu.memory_space<vmem>>
    %swap3A_935 = arith.constant 48 : index
    %swap3A_936 = tpu.vector_load %swap3A_934[%swap3A_935] {strides = array<i32>} : memref<128xf32, #tpu.memory_space<vmem>>, vector<16xf32>,
    %swap3A_937 = vector.shape_cast %swap3A_936 : vector<16xf32> to vector<16xf32>
    %swap3A_938 = vector.shape_cast %broadcast_in_dim3A_11 : vector<16xf32> to vector<16xf32>
    tpu.vector_store %swap3A_934[%swap3A_935], %swap3A_938 {strides = array<i32>} : memref<128xf32, #tpu.memory_space<vmem>>, vector<16xf32>,
    %swap3A_939 = arith.constant 14 : i32
    %swap3A_940 = arith.constant 0 : i32
    %swap3A_941 = tpu.memref_slice %arg7[%swap3A_939, %swap3A_940] : memref<16x128xf32, #tpu.memory_space<vmem>> -> memref<1x128xf32, #tpu.memory_space<vmem>>
    %swap3A_942 = tpu.memref_squeeze %swap3A_941 : memref<1x128xf32, #tpu.memory_space<vmem>> -> memref<128xf32, #tpu.memory_space<vmem>>
    %swap3A_943 = arith.constant 64 : index
    %swap3A_944 = tpu.vector_load %swap3A_942[%swap3A_943] {strides = array<i32>} : memref<128xf32, #tpu.memory_space<vmem>>, vector<16xf32>,
    %swap3A_945 = vector.shape_cast %swap3A_944 : vector<16xf32> to vector<16xf32>
    %swap3A_946 = vector.shape_cast %broadcast_in_dim3A_11 : vector<16xf32> to vector<16xf32>
    tpu.vector_store %swap3A_942[%swap3A_943], %swap3A_946 {strides = array<i32>} : memref<128xf32, #tpu.memory_space<vmem>>, vector<16xf32>,
    %swap3A_947 = arith.constant 14 : i32
    %swap3A_948 = arith.constant 0 : i32
    %swap3A_949 = tpu.memref_slice %arg7[%swap3A_947, %swap3A_948] : memref<16x128xf32, #tpu.memory_space<vmem>> -> memref<1x128xf32, #tpu.memory_space<vmem>>
    %swap3A_950 = tpu.memref_squeeze %swap3A_949 : memref<1x128xf32, #tpu.memory_space<vmem>> -> memref<128xf32, #tpu.memory_space<vmem>>
    %swap3A_951 = arith.constant 80 : index
    %swap3A_952 = tpu.vector_load %swap3A_950[%swap3A_951] {strides = array<i32>} : memref<128xf32, #tpu.memory_space<vmem>>, vector<16xf32>,
    %swap3A_953 = vector.shape_cast %swap3A_952 : vector<16xf32> to vector<16xf32>
    %swap3A_954 = vector.shape_cast %broadcast_in_dim3A_11 : vector<16xf32> to vector<16xf32>
    tpu.vector_store %swap3A_950[%swap3A_951], %swap3A_954 {strides = array<i32>} : memref<128xf32, #tpu.memory_space<vmem>>, vector<16xf32>,
    %swap3A_955 = arith.constant 14 : i32
    %swap3A_956 = arith.constant 0 : i32
    %swap3A_957 = tpu.memref_slice %arg7[%swap3A_955, %swap3A_956] : memref<16x128xf32, #tpu.memory_space<vmem>> -> memref<1x128xf32, #tpu.memory_space<vmem>>
    %swap3A_958 = tpu.memref_squeeze %swap3A_957 : memref<1x128xf32, #tpu.memory_space<vmem>> -> memref<128xf32, #tpu.memory_space<vmem>>
    %swap3A_959 = arith.constant 96 : index
    %swap3A_960 = tpu.vector_load %swap3A_958[%swap3A_959] {strides = array<i32>} : memref<128xf32, #tpu.memory_space<vmem>>, vector<16xf32>,
    %swap3A_961 = vector.shape_cast %swap3A_960 : vector<16xf32> to vector<16xf32>
    %swap3A_962 = vector.shape_cast %broadcast_in_dim3A_11 : vector<16xf32> to vector<16xf32>
    tpu.vector_store %swap3A_958[%swap3A_959], %swap3A_962 {strides = array<i32>} : memref<128xf32, #tpu.memory_space<vmem>>, vector<16xf32>,
    %swap3A_963 = arith.constant 14 : i32
    %swap3A_964 = arith.constant 0 : i32
    %swap3A_965 = tpu.memref_slice %arg7[%swap3A_963, %swap3A_964] : memref<16x128xf32, #tpu.memory_space<vmem>> -> memref<1x128xf32, #tpu.memory_space<vmem>>
    %swap3A_966 = tpu.memref_squeeze %swap3A_965 : memref<1x128xf32, #tpu.memory_space<vmem>> -> memref<128xf32, #tpu.memory_space<vmem>>
    %swap3A_967 = arith.constant 112 : index
    %swap3A_968 = tpu.vector_load %swap3A_966[%swap3A_967] {strides = array<i32>} : memref<128xf32, #tpu.memory_space<vmem>>, vector<16xf32>,
    %swap3A_969 = vector.shape_cast %swap3A_968 : vector<16xf32> to vector<16xf32>
    %swap3A_970 = vector.shape_cast %broadcast_in_dim3A_11 : vector<16xf32> to vector<16xf32>
    tpu.vector_store %swap3A_966[%swap3A_967], %swap3A_970 {strides = array<i32>} : memref<128xf32, #tpu.memory_space<vmem>>, vector<16xf32>,
    %swap3A_971 = arith.constant 15 : i32
    %swap3A_972 = arith.constant 0 : i32
    %swap3A_973 = tpu.memref_slice %arg7[%swap3A_971, %swap3A_972] : memref<16x128xf32, #tpu.memory_space<vmem>> -> memref<1x128xf32, #tpu.memory_space<vmem>>
    %swap3A_974 = tpu.memref_squeeze %swap3A_973 : memref<1x128xf32, #tpu.memory_space<vmem>> -> memref<128xf32, #tpu.memory_space<vmem>>
    %swap3A_975 = arith.constant 0 : index
    %swap3A_976 = tpu.vector_load %swap3A_974[%swap3A_975] {strides = array<i32>} : memref<128xf32, #tpu.memory_space<vmem>>, vector<16xf32>,
    %swap3A_977 = vector.shape_cast %swap3A_976 : vector<16xf32> to vector<16xf32>
    %swap3A_978 = vector.shape_cast %broadcast_in_dim3A_11 : vector<16xf32> to vector<16xf32>
    tpu.vector_store %swap3A_974[%swap3A_975], %swap3A_978 {strides = array<i32>} : memref<128xf32, #tpu.memory_space<vmem>>, vector<16xf32>,
    %swap3A_979 = arith.constant 15 : i32
    %swap3A_980 = arith.constant 0 : i32
    %swap3A_981 = tpu.memref_slice %arg7[%swap3A_979, %swap3A_980] : memref<16x128xf32, #tpu.memory_space<vmem>> -> memref<1x128xf32, #tpu.memory_space<vmem>>
    %swap3A_982 = tpu.memref_squeeze %swap3A_981 : memref<1x128xf32, #tpu.memory_space<vmem>> -> memref<128xf32, #tpu.memory_space<vmem>>
    %swap3A_983 = arith.constant 16 : index
    %swap3A_984 = tpu.vector_load %swap3A_982[%swap3A_983] {strides = array<i32>} : memref<128xf32, #tpu.memory_space<vmem>>, vector<16xf32>,
    %swap3A_985 = vector.shape_cast %swap3A_984 : vector<16xf32> to vector<16xf32>
    %swap3A_986 = vector.shape_cast %broadcast_in_dim3A_11 : vector<16xf32> to vector<16xf32>
    tpu.vector_store %swap3A_982[%swap3A_983], %swap3A_986 {strides = array<i32>} : memref<128xf32, #tpu.memory_space<vmem>>, vector<16xf32>,
    %swap3A_987 = arith.constant 15 : i32
    %swap3A_988 = arith.constant 0 : i32
    %swap3A_989 = tpu.memref_slice %arg7[%swap3A_987, %swap3A_988] : memref<16x128xf32, #tpu.memory_space<vmem>> -> memref<1x128xf32, #tpu.memory_space<vmem>>
    %swap3A_990 = tpu.memref_squeeze %swap3A_989 : memref<1x128xf32, #tpu.memory_space<vmem>> -> memref<128xf32, #tpu.memory_space<vmem>>
    %swap3A_991 = arith.constant 32 : index
    %swap3A_992 = tpu.vector_load %swap3A_990[%swap3A_991] {strides = array<i32>} : memref<128xf32, #tpu.memory_space<vmem>>, vector<16xf32>,
    %swap3A_993 = vector.shape_cast %swap3A_992 : vector<16xf32> to vector<16xf32>
    %swap3A_994 = vector.shape_cast %broadcast_in_dim3A_11 : vector<16xf32> to vector<16xf32>
    tpu.vector_store %swap3A_990[%swap3A_991], %swap3A_994 {strides = array<i32>} : memref<128xf32, #tpu.memory_space<vmem>>, vector<16xf32>,
    %swap3A_995 = arith.constant 15 : i32
    %swap3A_996 = arith.constant 0 : i32
    %swap3A_997 = tpu.memref_slice %arg7[%swap3A_995, %swap3A_996] : memref<16x128xf32, #tpu.memory_space<vmem>> -> memref<1x128xf32, #tpu.memory_space<vmem>>
    %swap3A_998 = tpu.memref_squeeze %swap3A_997 : memref<1x128xf32, #tpu.memory_space<vmem>> -> memref<128xf32, #tpu.memory_space<vmem>>
    %swap3A_999 = arith.constant 48 : index
    %swap3A_1000 = tpu.vector_load %swap3A_998[%swap3A_999] {strides = array<i32>} : memref<128xf32, #tpu.memory_space<vmem>>, vector<16xf32>,
    %swap3A_1001 = vector.shape_cast %swap3A_1000 : vector<16xf32> to vector<16xf32>
    %swap3A_1002 = vector.shape_cast %broadcast_in_dim3A_11 : vector<16xf32> to vector<16xf32>
    tpu.vector_store %swap3A_998[%swap3A_999], %swap3A_1002 {strides = array<i32>} : memref<128xf32, #tpu.memory_space<vmem>>, vector<16xf32>,
    %swap3A_1003 = arith.constant 15 : i32
    %swap3A_1004 = arith.constant 0 : i32
    %swap3A_1005 = tpu.memref_slice %arg7[%swap3A_1003, %swap3A_1004] : memref<16x128xf32, #tpu.memory_space<vmem>> -> memref<1x128xf32, #tpu.memory_space<vmem>>
    %swap3A_1006 = tpu.memref_squeeze %swap3A_1005 : memref<1x128xf32, #tpu.memory_space<vmem>> -> memref<128xf32, #tpu.memory_space<vmem>>
    %swap3A_1007 = arith.constant 64 : index
    %swap3A_1008 = tpu.vector_load %swap3A_1006[%swap3A_1007] {strides = array<i32>} : memref<128xf32, #tpu.memory_space<vmem>>, vector<16xf32>,
    %swap3A_1009 = vector.shape_cast %swap3A_1008 : vector<16xf32> to vector<16xf32>
    %swap3A_1010 = vector.shape_cast %broadcast_in_dim3A_11 : vector<16xf32> to vector<16xf32>
    tpu.vector_store %swap3A_1006[%swap3A_1007], %swap3A_1010 {strides = array<i32>} : memref<128xf32, #tpu.memory_space<vmem>>, vector<16xf32>,
    %swap3A_1011 = arith.constant 15 : i32
    %swap3A_1012 = arith.constant 0 : i32
    %swap3A_1013 = tpu.memref_slice %arg7[%swap3A_1011, %swap3A_1012] : memref<16x128xf32, #tpu.memory_space<vmem>> -> memref<1x128xf32, #tpu.memory_space<vmem>>
    %swap3A_1014 = tpu.memref_squeeze %swap3A_1013 : memref<1x128xf32, #tpu.memory_space<vmem>> -> memref<128xf32, #tpu.memory_space<vmem>>
    %swap3A_1015 = arith.constant 80 : index
    %swap3A_1016 = tpu.vector_load %swap3A_1014[%swap3A_1015] {strides = array<i32>} : memref<128xf32, #tpu.memory_space<vmem>>, vector<16xf32>,
    %swap3A_1017 = vector.shape_cast %swap3A_1016 : vector<16xf32> to vector<16xf32>
    %swap3A_1018 = vector.shape_cast %broadcast_in_dim3A_11 : vector<16xf32> to vector<16xf32>
    tpu.vector_store %swap3A_1014[%swap3A_1015], %swap3A_1018 {strides = array<i32>} : memref<128xf32, #tpu.memory_space<vmem>>, vector<16xf32>,
    %swap3A_1019 = arith.constant 15 : i32
    %swap3A_1020 = arith.constant 0 : i32
    %swap3A_1021 = tpu.memref_slice %arg7[%swap3A_1019, %swap3A_1020] : memref<16x128xf32, #tpu.memory_space<vmem>> -> memref<1x128xf32, #tpu.memory_space<vmem>>
    %swap3A_1022 = tpu.memref_squeeze %swap3A_1021 : memref<1x128xf32, #tpu.memory_space<vmem>> -> memref<128xf32, #tpu.memory_space<vmem>>
    %swap3A_1023 = arith.constant 96 : index
    %swap3A_1024 = tpu.vector_load %swap3A_1022[%swap3A_1023] {strides = array<i32>} : memref<128xf32, #tpu.memory_space<vmem>>, vector<16xf32>,
    %swap3A_1025 = vector.shape_cast %swap3A_1024 : vector<16xf32> to vector<16xf32>
    %swap3A_1026 = vector.shape_cast %broadcast_in_dim3A_11 : vector<16xf32> to vector<16xf32>
    tpu.vector_store %swap3A_1022[%swap3A_1023], %swap3A_1026 {strides = array<i32>} : memref<128xf32, #tpu.memory_space<vmem>>, vector<16xf32>,
    %swap3A_1027 = arith.constant 15 : i32
    %swap3A_1028 = arith.constant 0 : i32
    %swap3A_1029 = tpu.memref_slice %arg7[%swap3A_1027, %swap3A_1028] : memref<16x128xf32, #tpu.memory_space<vmem>> -> memref<1x128xf32, #tpu.memory_space<vmem>>
    %swap3A_1030 = tpu.memref_squeeze %swap3A_1029 : memref<1x128xf32, #tpu.memory_space<vmem>> -> memref<128xf32, #tpu.memory_space<vmem>>
    %swap3A_1031 = arith.constant 112 : index
    %swap3A_1032 = tpu.vector_load %swap3A_1030[%swap3A_1031] {strides = array<i32>} : memref<128xf32, #tpu.memory_space<vmem>>, vector<16xf32>,
    %swap3A_1033 = vector.shape_cast %swap3A_1032 : vector<16xf32> to vector<16xf32>
    %swap3A_1034 = vector.shape_cast %broadcast_in_dim3A_11 : vector<16xf32> to vector<16xf32>
    tpu.vector_store %swap3A_1030[%swap3A_1031], %swap3A_1034 {strides = array<i32>} : memref<128xf32, #tpu.memory_space<vmem>>, vector<16xf32>,
    %lt3A = arith.constant 10 : i32
    %lt3A_1035 = arith.cmpi slt, %arg1, %lt3A : i32
    %convert_element_type3A = arith.extui %lt3A_1035 : i1 to i32
    %cond3A = arith.constant 0 : i32
    %cond3A_1036 = arith.cmpi ne, %convert_element_type3A, %cond3A : i32
    scf.if %cond3A_1036 {
      %scan3A_1095 = arith.constant 0 : i32
      %scan3A_1096 = arith.constant 0 : i32
      %scan3A_1097 = arith.constant 62 : i32
      %scan3A_1098 = arith.addi %scan3A_1096, %scan3A_1097 : i32
      %scan3A_1099 = arith.constant 1 : i32
      scf.for %scan3A_1134 = %scan3A_1096 to %scan3A_1098 step %scan3A_1099  : i32 {
        %mul3A_1135 = arith.constant 1000 : i32
        %mul3A_1136 = arith.muli %arg1, %mul3A_1135 : i32
        %mul3A_1137 = arith.constant 16 : i32
        %mul3A_1138 = arith.muli %mul3A_1137, %scan3A_1134 : i32
        %add3A_1139 = arith.addi %mul3A_1136, %mul3A_1138 : i32
        %dma_start3A_1140 = arith.constant 0 : i32
        %dma_start3A_1141 = tpu.memref_slice %arg8[%add3A_1139, %dma_start3A_1140] : memref<10000x128xf32, #tpu.memory_space<vmem_shared>> -> memref<16x128xf32, #tpu.memory_space<vmem_shared>>
        %dma_start3A_1142 = arith.constant 0 : i32
        %dma_start3A_1143 = tpu.memref_slice %arg8[%add3A_1139, %dma_start3A_1142] : memref<10000x128xf32, #tpu.memory_space<vmem_shared>> -> memref<16x128xf32, #tpu.memory_space<vmem_shared>>
        tpu.enqueue_dma source(%arg7 : memref<16x128xf32, #tpu.memory_space<vmem>>) target(%dma_start3A_1143 : memref<16x128xf32, #tpu.memory_space<vmem_shared>>) target_semaphore(%arg9 : memref<!tpu.dma_semaphore, #tpu.memory_space<semaphore_mem>>)
      }
      %scan3A_1100 = arith.constant 62 : i32
      %mul3A_1101 = arith.constant 1000 : i32
      %mul3A_1102 = arith.muli %arg1, %mul3A_1101 : i32
      %add3A_1103 = arith.constant 1000 : i32
      %add3A_1104 = arith.addi %mul3A_1102, %add3A_1103 : i32
      %sub3A = arith.constant 8 : i32
      %sub3A_1105 = arith.subi %add3A_1104, %sub3A : i32
      %dma_start3A_1106 = arith.constant 0 : i32
      %dma_start3A_1107 = arith.constant 0 : i32
      %dma_start3A_1108 = tpu.memref_slice %arg7[%dma_start3A_1106, %dma_start3A_1107] : memref<16x128xf32, #tpu.memory_space<vmem>> -> memref<8x128xf32, #tpu.memory_space<vmem>>
      %dma_start3A_1109 = arith.constant 0 : i32
      %dma_start3A_1110 = tpu.memref_slice %arg8[%sub3A_1105, %dma_start3A_1109] : memref<10000x128xf32, #tpu.memory_space<vmem_shared>> -> memref<8x128xf32, #tpu.memory_space<vmem_shared>>
      %dma_start3A_1111 = arith.constant 0 : i32
      %dma_start3A_1112 = tpu.memref_slice %arg8[%sub3A_1105, %dma_start3A_1111] : memref<10000x128xf32, #tpu.memory_space<vmem_shared>> -> memref<8x128xf32, #tpu.memory_space<vmem_shared>>
      %dma_start3A_1113 = arith.constant 0 : i32
      %dma_start3A_1114 = arith.constant 0 : i32
      %dma_start3A_1115 = tpu.memref_slice %arg7[%dma_start3A_1113, %dma_start3A_1114] : memref<16x128xf32, #tpu.memory_space<vmem>> -> memref<8x128xf32, #tpu.memory_space<vmem>>
      tpu.enqueue_dma source(%dma_start3A_1115 : memref<8x128xf32, #tpu.memory_space<vmem>>) target(%dma_start3A_1112 : memref<8x128xf32, #tpu.memory_space<vmem_shared>>) target_semaphore(%arg9 : memref<!tpu.dma_semaphore, #tpu.memory_space<semaphore_mem>>)
      %scan3A_1116 = arith.constant 0 : i32
      %scan3A_1117 = arith.constant 0 : i32
      %scan3A_1118 = arith.constant 62 : i32
      %scan3A_1119 = arith.addi %scan3A_1117, %scan3A_1118 : i32
      %scan3A_1120 = arith.constant 1 : i32
      scf.for %scan3A_1134 = %scan3A_1117 to %scan3A_1119 step %scan3A_1120  : i32 {
        %mul3A_1135 = arith.constant 1000 : i32
        %mul3A_1136 = arith.muli %arg1, %mul3A_1135 : i32
        %dma_wait3A_1137 = arith.constant 0 : i32
        %dma_wait3A_1138 = tpu.memref_slice %arg8[%mul3A_1136, %dma_wait3A_1137] : memref<10000x128xf32, #tpu.memory_space<vmem_shared>> -> memref<16x128xf32, #tpu.memory_space<vmem_shared>>
        %dma_wait3A_1139 = arith.constant 0 : i32
        %dma_wait3A_1140 = tpu.memref_slice %arg8[%mul3A_1136, %dma_wait3A_1139] : memref<10000x128xf32, #tpu.memory_space<vmem_shared>> -> memref<16x128xf32, #tpu.memory_space<vmem_shared>>
        tpu.wait_dma2 semaphore(%arg9 : memref<!tpu.dma_semaphore, #tpu.memory_space<semaphore_mem>>) src(%arg7 : memref<16x128xf32, #tpu.memory_space<vmem>>) dst(%dma_wait3A_1140 : memref<16x128xf32, #tpu.memory_space<vmem_shared>>)
      }
      %scan3A_1121 = arith.constant 62 : i32
      %mul3A_1122 = arith.constant 1000 : i32
      %mul3A_1123 = arith.muli %arg1, %mul3A_1122 : i32
      %dma_wait3A_1124 = arith.constant 0 : i32
      %dma_wait3A_1125 = arith.constant 0 : i32
      %dma_wait3A_1126 = tpu.memref_slice %arg7[%dma_wait3A_1124, %dma_wait3A_1125] : memref<16x128xf32, #tpu.memory_space<vmem>> -> memref<8x128xf32, #tpu.memory_space<vmem>>
      %dma_wait3A_1127 = arith.constant 0 : i32
      %dma_wait3A_1128 = tpu.memref_slice %arg8[%mul3A_1123, %dma_wait3A_1127] : memref<10000x128xf32, #tpu.memory_space<vmem_shared>> -> memref<8x128xf32, #tpu.memory_space<vmem_shared>>
      %dma_wait3A_1129 = arith.constant 0 : i32
      %dma_wait3A_1130 = tpu.memref_slice %arg8[%mul3A_1123, %dma_wait3A_1129] : memref<10000x128xf32, #tpu.memory_space<vmem_shared>> -> memref<8x128xf32, #tpu.memory_space<vmem_shared>>
      %dma_wait3A_1131 = arith.constant 0 : i32
      %dma_wait3A_1132 = arith.constant 0 : i32
      %dma_wait3A_1133 = tpu.memref_slice %arg7[%dma_wait3A_1131, %dma_wait3A_1132] : memref<16x128xf32, #tpu.memory_space<vmem>> -> memref<8x128xf32, #tpu.memory_space<vmem>>
      tpu.wait_dma2 semaphore(%arg9 : memref<!tpu.dma_semaphore, #tpu.memory_space<semaphore_mem>>) src(%dma_wait3A_1133 : memref<8x128xf32, #tpu.memory_space<vmem>>) dst(%dma_wait3A_1130 : memref<8x128xf32, #tpu.memory_space<vmem_shared>>)
    } else {
    }
    %dma_wait3A = arith.constant 0 : i32
    %dma_wait3A_1037 = arith.constant 0 : i32
    %dma_wait3A_1038 = tpu.memref_slice %arg5[%dma_wait3A_1037] : memref<10112xi32, #tpu.memory_space<vmem>> -> memref<9984xi32, #tpu.memory_space<vmem>>
    %dma_wait3A_1039 = tpu.memref_slice %arg2[%dma_wait3A, %mul3A_2] : memref<2x320000xi32, #tpu.memory_space<hbm>> -> memref<1x9984xi32, #tpu.memory_space<hbm>>
    %dma_wait3A_1040 = tpu.memref_squeeze %dma_wait3A_1039 : memref<1x9984xi32, #tpu.memory_space<hbm>> -> memref<9984xi32, #tpu.memory_space<hbm>>
    %dma_wait3A_1041 = arith.constant 0 : i32
    %dma_wait3A_1042 = tpu.memref_slice %arg5[%dma_wait3A_1041] : memref<10112xi32, #tpu.memory_space<vmem>> -> memref<9984xi32, #tpu.memory_space<vmem>>
    %dma_wait3A_1043 = tpu.memref_slice %arg2[%dma_wait3A, %mul3A_2] : memref<2x320000xi32, #tpu.memory_space<hbm>> -> memref<1x9984xi32, #tpu.memory_space<hbm>>
    %dma_wait3A_1044 = tpu.memref_squeeze %dma_wait3A_1043 : memref<1x9984xi32, #tpu.memory_space<hbm>> -> memref<9984xi32, #tpu.memory_space<hbm>>
    tpu.wait_dma2 semaphore(%arg10 : memref<!tpu.dma_semaphore, #tpu.memory_space<semaphore_mem>>) src(%dma_wait3A_1044 : memref<9984xi32, #tpu.memory_space<hbm>>) dst(%dma_wait3A_1042 : memref<9984xi32, #tpu.memory_space<vmem>>)
    %lt3A_1045 = arith.constant 4 : i32
    %lt3A_1046 = arith.cmpi slt, %add3A, %lt3A_1045 : i32
    %convert_element_type3A_1047 = arith.extui %lt3A_1046 : i1 to i32
    %cond3A_1048 = arith.constant 0 : i32
    %cond3A_1049 = arith.cmpi ne, %convert_element_type3A_1047, %cond3A_1048 : i32
    scf.if %cond3A_1049 {
      %mul3A_1095 = arith.constant 128 : i32
      %mul3A_1096 = arith.muli %add3A, %mul3A_1095 : i32
      %add3A_1097 = arith.constant 319488 : i32
      %add3A_1098 = arith.addi %add3A_1097, %mul3A_1096 : i32
      %run_scoped3A = arith.constant 0 : i32
      "tpu.region"() ({
        %run_scoped3A_1099 = tpu.sem_alloc : memref<!tpu.dma_semaphore, #tpu.memory_space<semaphore_mem>>
        %dma_start3A_1100 = arith.constant 9984 : i32
        %dma_start3A_1101 = tpu.memref_slice %arg5[%dma_start3A_1100] : memref<10112xi32, #tpu.memory_space<vmem>> -> memref<128xi32, #tpu.memory_space<vmem>>
        %dma_start3A_1102 = tpu.memref_slice %arg2[%run_scoped3A, %add3A_1098] : memref<2x320000xi32, #tpu.memory_space<hbm>> -> memref<1x128xi32, #tpu.memory_space<hbm>>
        %dma_start3A_1103 = tpu.memref_squeeze %dma_start3A_1102 : memref<1x128xi32, #tpu.memory_space<hbm>> -> memref<128xi32, #tpu.memory_space<hbm>>
        %dma_start3A_1104 = arith.constant 9984 : i32
        %dma_start3A_1105 = tpu.memref_slice %arg5[%dma_start3A_1104] : memref<10112xi32, #tpu.memory_space<vmem>> -> memref<128xi32, #tpu.memory_space<vmem>>
        %dma_start3A_1106 = tpu.memref_slice %arg2[%run_scoped3A, %add3A_1098] : memref<2x320000xi32, #tpu.memory_space<hbm>> -> memref<1x128xi32, #tpu.memory_space<hbm>>
        %dma_start3A_1107 = tpu.memref_squeeze %dma_start3A_1106 : memref<1x128xi32, #tpu.memory_space<hbm>> -> memref<128xi32, #tpu.memory_space<hbm>>
        tpu.enqueue_dma source(%dma_start3A_1107 : memref<128xi32, #tpu.memory_space<hbm>>) target(%dma_start3A_1105 : memref<128xi32, #tpu.memory_space<vmem>>) target_semaphore(%run_scoped3A_1099 : memref<!tpu.dma_semaphore, #tpu.memory_space<semaphore_mem>>)
        %dma_wait3A_1108 = arith.constant 9984 : i32
        %dma_wait3A_1109 = tpu.memref_slice %arg5[%dma_wait3A_1108] : memref<10112xi32, #tpu.memory_space<vmem>> -> memref<128xi32, #tpu.memory_space<vmem>>
        %dma_wait3A_1110 = tpu.memref_slice %arg2[%run_scoped3A, %add3A_1098] : memref<2x320000xi32, #tpu.memory_space<hbm>> -> memref<1x128xi32, #tpu.memory_space<hbm>>
        %dma_wait3A_1111 = tpu.memref_squeeze %dma_wait3A_1110 : memref<1x128xi32, #tpu.memory_space<hbm>> -> memref<128xi32, #tpu.memory_space<hbm>>
        %dma_wait3A_1112 = arith.constant 9984 : i32
        %dma_wait3A_1113 = tpu.memref_slice %arg5[%dma_wait3A_1112] : memref<10112xi32, #tpu.memory_space<vmem>> -> memref<128xi32, #tpu.memory_space<vmem>>
        %dma_wait3A_1114 = tpu.memref_slice %arg2[%run_scoped3A, %add3A_1098] : memref<2x320000xi32, #tpu.memory_space<hbm>> -> memref<1x128xi32, #tpu.memory_space<hbm>>
        %dma_wait3A_1115 = tpu.memref_squeeze %dma_wait3A_1114 : memref<1x128xi32, #tpu.memory_space<hbm>> -> memref<128xi32, #tpu.memory_space<hbm>>
        tpu.wait_dma2 semaphore(%run_scoped3A_1099 : memref<!tpu.dma_semaphore, #tpu.memory_space<semaphore_mem>>) src(%dma_wait3A_1115 : memref<128xi32, #tpu.memory_space<hbm>>) dst(%dma_wait3A_1113 : memref<128xi32, #tpu.memory_space<vmem>>)
        tpu.yield
      }) : () -> ()
    } else {
    }
    %barrier3A = arith.constant 0 : index
    tpu.barrier barrier_id(%barrier3A)
    %dma_start3A_1050 = arith.constant 0 : i32
    %dma_start3A_1051 = arith.constant 0 : i32
    %dma_start3A_1052 = arith.constant 0 : i32
    %dma_start3A_1053 = tpu.memref_slice %arg6[%dma_start3A_1050, %dma_start3A_1051, %dma_start3A_1052] : memref<2x128x128xf32, #tpu.memory_space<vmem>> -> memref<1x128x128xf32, #tpu.memory_space<vmem>>
    %dma_start3A_1054 = tpu.memref_squeeze %dma_start3A_1053 : memref<1x128x128xf32, #tpu.memory_space<vmem>> -> memref<128x128xf32, #tpu.memory_space<vmem>>
    %dma_start3A_1055 = arith.constant 0 : i32
    %dma_start3A_1056 = tpu.memref_slice %arg3[%mul3A_2, %dma_start3A_1055] : memref<320000x128xf32, #tpu.memory_space<hbm>> -> memref<128x128xf32, #tpu.memory_space<hbm>>
    %dma_start3A_1057 = arith.constant 0 : i32
    %dma_start3A_1058 = arith.constant 0 : i32
    %dma_start3A_1059 = tpu.memref_slice %arg6[%dma_start3A_1050, %dma_start3A_1057, %dma_start3A_1058] : memref<2x128x128xf32, #tpu.memory_space<vmem>> -> memref<1x128x128xf32, #tpu.memory_space<vmem>>
    %dma_start3A_1060 = tpu.memref_squeeze %dma_start3A_1059 : memref<1x128x128xf32, #tpu.memory_space<vmem>> -> memref<128x128xf32, #tpu.memory_space<vmem>>
    %dma_start3A_1061 = arith.constant 0 : i32
    %dma_start3A_1062 = tpu.memref_slice %arg3[%mul3A_2, %dma_start3A_1061] : memref<320000x128xf32, #tpu.memory_space<hbm>> -> memref<128x128xf32, #tpu.memory_space<hbm>>
    tpu.enqueue_dma source(%dma_start3A_1062 : memref<128x128xf32, #tpu.memory_space<hbm>>) target(%dma_start3A_1060 : memref<128x128xf32, #tpu.memory_space<vmem>>) target_semaphore(%arg9 : memref<!tpu.dma_semaphore, #tpu.memory_space<semaphore_mem>>)
    %scan3A = arith.constant 0 : i32
    %scan3A_1063 = arith.constant 1 : i32
    %scan3A_1064 = arith.constant 0 : i32
    %scan3A_1065 = arith.constant 0 : i32
    %scan3A_1066 = arith.constant 39 : i32
    %scan3A_1067 = arith.addi %scan3A_1065, %scan3A_1066 : i32
    %scan3A_1068 = arith.constant 1 : i32
    scf.for %scan3A_1095 = %scan3A_1065 to %scan3A_1067 step %scan3A_1068  : i32 {
      %mul3A_1096 = arith.constant 2 : i32
      %mul3A_1097 = arith.muli %mul3A_1096, %scan3A_1095 : i32
      %mul3A_1098 = arith.constant 2 : i32
      %mul3A_1099 = arith.muli %mul3A_1098, %scan3A_1095 : i32
      %add3A_1100 = arith.constant 1 : i32
      %add3A_1101 = arith.addi %mul3A_1099, %add3A_1100 : i32
      %mul3A_1102 = arith.constant 128 : i32
      %mul3A_1103 = arith.muli %add3A_1101, %mul3A_1102 : i32
      %add3A_1104 = arith.addi %mul3A_2, %mul3A_1103 : i32
      %dma_start3A_1105 = arith.constant 0 : i32
      %dma_start3A_1106 = arith.constant 0 : i32
      %dma_start3A_1107 = tpu.memref_slice %arg6[%scan3A_1063, %dma_start3A_1105, %dma_start3A_1106] : memref<2x128x128xf32, #tpu.memory_space<vmem>> -> memref<1x128x128xf32, #tpu.memory_space<vmem>>
      %dma_start3A_1108 = tpu.memref_squeeze %dma_start3A_1107 : memref<1x128x128xf32, #tpu.memory_space<vmem>> -> memref<128x128xf32, #tpu.memory_space<vmem>>
      %dma_start3A_1109 = arith.constant 0 : i32
      %dma_start3A_1110 = tpu.memref_slice %arg3[%add3A_1104, %dma_start3A_1109] : memref<320000x128xf32, #tpu.memory_space<hbm>> -> memref<128x128xf32, #tpu.memory_space<hbm>>
      %dma_start3A_1111 = arith.constant 0 : i32
      %dma_start3A_1112 = arith.constant 0 : i32
      %dma_start3A_1113 = tpu.memref_slice %arg6[%scan3A_1063, %dma_start3A_1111, %dma_start3A_1112] : memref<2x128x128xf32, #tpu.memory_space<vmem>> -> memref<1x128x128xf32, #tpu.memory_space<vmem>>
      %dma_start3A_1114 = tpu.memref_squeeze %dma_start3A_1113 : memref<1x128x128xf32, #tpu.memory_space<vmem>> -> memref<128x128xf32, #tpu.memory_space<vmem>>
      %dma_start3A_1115 = arith.constant 0 : i32
      %dma_start3A_1116 = tpu.memref_slice %arg3[%add3A_1104, %dma_start3A_1115] : memref<320000x128xf32, #tpu.memory_space<hbm>> -> memref<128x128xf32, #tpu.memory_space<hbm>>
      tpu.enqueue_dma source(%dma_start3A_1116 : memref<128x128xf32, #tpu.memory_space<hbm>>) target(%dma_start3A_1114 : memref<128x128xf32, #tpu.memory_space<vmem>>) target_semaphore(%arg10 : memref<!tpu.dma_semaphore, #tpu.memory_space<semaphore_mem>>)
      %dma_wait3A_1117 = arith.constant 0 : i32
      %dma_wait3A_1118 = arith.constant 0 : i32
      %dma_wait3A_1119 = tpu.memref_slice %arg6[%scan3A_1064, %dma_wait3A_1117, %dma_wait3A_1118] : memref<2x128x128xf32, #tpu.memory_space<vmem>> -> memref<1x128x128xf32, #tpu.memory_space<vmem>>
      %dma_wait3A_1120 = tpu.memref_squeeze %dma_wait3A_1119 : memref<1x128x128xf32, #tpu.memory_space<vmem>> -> memref<128x128xf32, #tpu.memory_space<vmem>>
      %dma_wait3A_1121 = arith.constant 0 : i32
      %dma_wait3A_1122 = tpu.memref_slice %arg3[%mul3A_2, %dma_wait3A_1121] : memref<320000x128xf32, #tpu.memory_space<hbm>> -> memref<128x128xf32, #tpu.memory_space<hbm>>
      %dma_wait3A_1123 = arith.constant 0 : i32
      %dma_wait3A_1124 = arith.constant 0 : i32
      %dma_wait3A_1125 = tpu.memref_slice %arg6[%scan3A_1064, %dma_wait3A_1123, %dma_wait3A_1124] : memref<2x128x128xf32, #tpu.memory_space<vmem>> -> memref<1x128x128xf32, #tpu.memory_space<vmem>>
      %dma_wait3A_1126 = tpu.memref_squeeze %dma_wait3A_1125 : memref<1x128x128xf32, #tpu.memory_space<vmem>> -> memref<128x128xf32, #tpu.memory_space<vmem>>
      %dma_wait3A_1127 = arith.constant 0 : i32
      %dma_wait3A_1128 = tpu.memref_slice %arg3[%mul3A_2, %dma_wait3A_1127] : memref<320000x128xf32, #tpu.memory_space<hbm>> -> memref<128x128xf32, #tpu.memory_space<hbm>>
      tpu.wait_dma2 semaphore(%arg9 : memref<!tpu.dma_semaphore, #tpu.memory_space<semaphore_mem>>) src(%dma_wait3A_1128 : memref<128x128xf32, #tpu.memory_space<hbm>>) dst(%dma_wait3A_1126 : memref<128x128xf32, #tpu.memory_space<vmem>>)
      %mul3A_1129 = arith.constant 128 : i32
      %mul3A_1130 = arith.muli %mul3A_1097, %mul3A_1129 : i32
      "tpu.region"() ({
        %run_scoped3A = tpu.sem_alloc : memref<!tpu.dma_semaphore, #tpu.memory_space<semaphore_mem>>
        %dma_start3A_1163 = arith.constant 0 : i32
        %dma_start3A_1164 = arith.constant 0 : i32
        %dma_start3A_1165 = tpu.memref_slice %arg6[%scan3A_1064, %dma_start3A_1163, %dma_start3A_1164] : memref<2x128x128xf32, #tpu.memory_space<vmem>> -> memref<1x128x128xf32, #tpu.memory_space<vmem>>
        %dma_start3A_1166 = tpu.memref_squeeze %dma_start3A_1165 : memref<1x128x128xf32, #tpu.memory_space<vmem>> -> memref<128x128xf32, #tpu.memory_space<vmem>>
        %dma_start3A_1167 = tpu.memref_slice %arg5[%mul3A_1130] : memref<10112xi32, #tpu.memory_space<vmem>> -> memref<128xi32, #tpu.memory_space<vmem>>
        %dma_start3A_1168 = arith.constant 0 : i32
        %dma_start3A_1169 = arith.constant 0 : i32
        %dma_start3A_1170 = tpu.memref_slice %arg8[%dma_start3A_1168, %dma_start3A_1169] : memref<10000x128xf32, #tpu.memory_space<vmem_shared>> -> memref<10000x128xf32, #tpu.memory_space<vmem_shared>>
        tpu.enqueue_indirect_dma source(%dma_start3A_1166 : memref<128x128xf32, #tpu.memory_space<vmem>>) target(%dma_start3A_1170 : memref<10000x128xf32, #tpu.memory_space<vmem_shared>>) offsets(%dma_start3A_1167 : memref<128xi32, #tpu.memory_space<vmem>>) semaphore(%run_scoped3A : memref<!tpu.dma_semaphore, #tpu.memory_space<semaphore_mem>>) {add = true}
        %dma_wait3A_1171 = arith.constant 0 : i32
        %dma_wait3A_1172 = arith.constant 0 : i32
        %dma_wait3A_1173 = tpu.memref_slice %arg6[%scan3A_1064, %dma_wait3A_1171, %dma_wait3A_1172] : memref<2x128x128xf32, #tpu.memory_space<vmem>> -> memref<1x128x128xf32, #tpu.memory_space<vmem>>
        %dma_wait3A_1174 = tpu.memref_squeeze %dma_wait3A_1173 : memref<1x128x128xf32, #tpu.memory_space<vmem>> -> memref<128x128xf32, #tpu.memory_space<vmem>>
        %dma_wait3A_1175 = tpu.memref_slice %arg5[%mul3A_1130] : memref<10112xi32, #tpu.memory_space<vmem>> -> memref<128xi32, #tpu.memory_space<vmem>>
        %dma_wait3A_1176 = arith.constant 0 : i32
        %dma_wait3A_1177 = arith.constant 0 : i32
        %dma_wait3A_1178 = tpu.memref_slice %arg8[%dma_wait3A_1176, %dma_wait3A_1177] : memref<10000x128xf32, #tpu.memory_space<vmem_shared>> -> memref<10000x128xf32, #tpu.memory_space<vmem_shared>>
        tpu.wait_indirect_dma semaphore(%run_scoped3A : memref<!tpu.dma_semaphore, #tpu.memory_space<semaphore_mem>>) src(%dma_wait3A_1174 : memref<128x128xf32, #tpu.memory_space<vmem>>) dst(%dma_wait3A_1178 : memref<10000x128xf32, #tpu.memory_space<vmem_shared>>)
        tpu.yield
      }) : () -> ()
      %add3A_1131 = arith.constant 2 : i32
      %add3A_1132 = arith.addi %mul3A_1097, %add3A_1131 : i32
      %min3A = arith.constant 77 : i32
      %min3A_1133 = arith.minsi %add3A_1132, %min3A : i32
      %mul3A_1134 = arith.constant 128 : i32
      %mul3A_1135 = arith.muli %min3A_1133, %mul3A_1134 : i32
      %add3A_1136 = arith.addi %mul3A_2, %mul3A_1135 : i32
      %dma_start3A_1137 = arith.constant 0 : i32
      %dma_start3A_1138 = arith.constant 0 : i32
      %dma_start3A_1139 = tpu.memref_slice %arg6[%scan3A_1064, %dma_start3A_1137, %dma_start3A_1138] : memref<2x128x128xf32, #tpu.memory_space<vmem>> -> memref<1x128x128xf32, #tpu.memory_space<vmem>>
      %dma_start3A_1140 = tpu.memref_squeeze %dma_start3A_1139 : memref<1x128x128xf32, #tpu.memory_space<vmem>> -> memref<128x128xf32, #tpu.memory_space<vmem>>
      %dma_start3A_1141 = arith.constant 0 : i32
      %dma_start3A_1142 = tpu.memref_slice %arg3[%add3A_1136, %dma_start3A_1141] : memref<320000x128xf32, #tpu.memory_space<hbm>> -> memref<128x128xf32, #tpu.memory_space<hbm>>
      %dma_start3A_1143 = arith.constant 0 : i32
      %dma_start3A_1144 = arith.constant 0 : i32
      %dma_start3A_1145 = tpu.memref_slice %arg6[%scan3A_1064, %dma_start3A_1143, %dma_start3A_1144] : memref<2x128x128xf32, #tpu.memory_space<vmem>> -> memref<1x128x128xf32, #tpu.memory_space<vmem>>
      %dma_start3A_1146 = tpu.memref_squeeze %dma_start3A_1145 : memref<1x128x128xf32, #tpu.memory_space<vmem>> -> memref<128x128xf32, #tpu.memory_space<vmem>>
      %dma_start3A_1147 = arith.constant 0 : i32
      %dma_start3A_1148 = tpu.memref_slice %arg3[%add3A_1136, %dma_start3A_1147] : memref<320000x128xf32, #tpu.memory_space<hbm>> -> memref<128x128xf32, #tpu.memory_space<hbm>>
      tpu.enqueue_dma source(%dma_start3A_1148 : memref<128x128xf32, #tpu.memory_space<hbm>>) target(%dma_start3A_1146 : memref<128x128xf32, #tpu.memory_space<vmem>>) target_semaphore(%arg9 : memref<!tpu.dma_semaphore, #tpu.memory_space<semaphore_mem>>)
      %dma_wait3A_1149 = arith.constant 0 : i32
      %dma_wait3A_1150 = arith.constant 0 : i32
      %dma_wait3A_1151 = tpu.memref_slice %arg6[%scan3A_1063, %dma_wait3A_1149, %dma_wait3A_1150] : memref<2x128x128xf32, #tpu.memory_space<vmem>> -> memref<1x128x128xf32, #tpu.memory_space<vmem>>
      %dma_wait3A_1152 = tpu.memref_squeeze %dma_wait3A_1151 : memref<1x128x128xf32, #tpu.memory_space<vmem>> -> memref<128x128xf32, #tpu.memory_space<vmem>>
      %dma_wait3A_1153 = arith.constant 0 : i32
      %dma_wait3A_1154 = tpu.memref_slice %arg3[%mul3A_2, %dma_wait3A_1153] : memref<320000x128xf32, #tpu.memory_space<hbm>> -> memref<128x128xf32, #tpu.memory_space<hbm>>
      %dma_wait3A_1155 = arith.constant 0 : i32
      %dma_wait3A_1156 = arith.constant 0 : i32
      %dma_wait3A_1157 = tpu.memref_slice %arg6[%scan3A_1063, %dma_wait3A_1155, %dma_wait3A_1156] : memref<2x128x128xf32, #tpu.memory_space<vmem>> -> memref<1x128x128xf32, #tpu.memory_space<vmem>>
      %dma_wait3A_1158 = tpu.memref_squeeze %dma_wait3A_1157 : memref<1x128x128xf32, #tpu.memory_space<vmem>> -> memref<128x128xf32, #tpu.memory_space<vmem>>
      %dma_wait3A_1159 = arith.constant 0 : i32
      %dma_wait3A_1160 = tpu.memref_slice %arg3[%mul3A_2, %dma_wait3A_1159] : memref<320000x128xf32, #tpu.memory_space<hbm>> -> memref<128x128xf32, #tpu.memory_space<hbm>>
      tpu.wait_dma2 semaphore(%arg10 : memref<!tpu.dma_semaphore, #tpu.memory_space<semaphore_mem>>) src(%dma_wait3A_1160 : memref<128x128xf32, #tpu.memory_space<hbm>>) dst(%dma_wait3A_1158 : memref<128x128xf32, #tpu.memory_space<vmem>>)
      %mul3A_1161 = arith.constant 128 : i32
      %mul3A_1162 = arith.muli %add3A_1101, %mul3A_1161 : i32
      "tpu.region"() ({
        %run_scoped3A = tpu.sem_alloc : memref<!tpu.dma_semaphore, #tpu.memory_space<semaphore_mem>>
        %dma_start3A_1163 = arith.constant 0 : i32
        %dma_start3A_1164 = arith.constant 0 : i32
        %dma_start3A_1165 = tpu.memref_slice %arg6[%scan3A_1063, %dma_start3A_1163, %dma_start3A_1164] : memref<2x128x128xf32, #tpu.memory_space<vmem>> -> memref<1x128x128xf32, #tpu.memory_space<vmem>>
        %dma_start3A_1166 = tpu.memref_squeeze %dma_start3A_1165 : memref<1x128x128xf32, #tpu.memory_space<vmem>> -> memref<128x128xf32, #tpu.memory_space<vmem>>
        %dma_start3A_1167 = tpu.memref_slice %arg5[%mul3A_1162] : memref<10112xi32, #tpu.memory_space<vmem>> -> memref<128xi32, #tpu.memory_space<vmem>>
        %dma_start3A_1168 = arith.constant 0 : i32
        %dma_start3A_1169 = arith.constant 0 : i32
        %dma_start3A_1170 = tpu.memref_slice %arg8[%dma_start3A_1168, %dma_start3A_1169] : memref<10000x128xf32, #tpu.memory_space<vmem_shared>> -> memref<10000x128xf32, #tpu.memory_space<vmem_shared>>
        tpu.enqueue_indirect_dma source(%dma_start3A_1166 : memref<128x128xf32, #tpu.memory_space<vmem>>) target(%dma_start3A_1170 : memref<10000x128xf32, #tpu.memory_space<vmem_shared>>) offsets(%dma_start3A_1167 : memref<128xi32, #tpu.memory_space<vmem>>) semaphore(%run_scoped3A : memref<!tpu.dma_semaphore, #tpu.memory_space<semaphore_mem>>) {add = true}
        %dma_wait3A_1171 = arith.constant 0 : i32
        %dma_wait3A_1172 = arith.constant 0 : i32
        %dma_wait3A_1173 = tpu.memref_slice %arg6[%scan3A_1063, %dma_wait3A_1171, %dma_wait3A_1172] : memref<2x128x128xf32, #tpu.memory_space<vmem>> -> memref<1x128x128xf32, #tpu.memory_space<vmem>>
        %dma_wait3A_1174 = tpu.memref_squeeze %dma_wait3A_1173 : memref<1x128x128xf32, #tpu.memory_space<vmem>> -> memref<128x128xf32, #tpu.memory_space<vmem>>
        %dma_wait3A_1175 = tpu.memref_slice %arg5[%mul3A_1162] : memref<10112xi32, #tpu.memory_space<vmem>> -> memref<128xi32, #tpu.memory_space<vmem>>
        %dma_wait3A_1176 = arith.constant 0 : i32
        %dma_wait3A_1177 = arith.constant 0 : i32
        %dma_wait3A_1178 = tpu.memref_slice %arg8[%dma_wait3A_1176, %dma_wait3A_1177] : memref<10000x128xf32, #tpu.memory_space<vmem_shared>> -> memref<10000x128xf32, #tpu.memory_space<vmem_shared>>
        tpu.wait_indirect_dma semaphore(%run_scoped3A : memref<!tpu.dma_semaphore, #tpu.memory_space<semaphore_mem>>) src(%dma_wait3A_1174 : memref<128x128xf32, #tpu.memory_space<vmem>>) dst(%dma_wait3A_1178 : memref<10000x128xf32, #tpu.memory_space<vmem_shared>>)
        tpu.yield
      }) : () -> ()
    }
    %scan3A_1069 = arith.constant 39 : i32
    %dma_wait3A_1070 = arith.constant 0 : i32
    %dma_wait3A_1071 = arith.constant 0 : i32
    %dma_wait3A_1072 = arith.constant 0 : i32
    %dma_wait3A_1073 = tpu.memref_slice %arg6[%dma_wait3A_1070, %dma_wait3A_1071, %dma_wait3A_1072] : memref<2x128x128xf32, #tpu.memory_space<vmem>> -> memref<1x128x128xf32, #tpu.memory_space<vmem>>
    %dma_wait3A_1074 = tpu.memref_squeeze %dma_wait3A_1073 : memref<1x128x128xf32, #tpu.memory_space<vmem>> -> memref<128x128xf32, #tpu.memory_space<vmem>>
    %dma_wait3A_1075 = arith.constant 0 : i32
    %dma_wait3A_1076 = tpu.memref_slice %arg3[%mul3A_2, %dma_wait3A_1075] : memref<320000x128xf32, #tpu.memory_space<hbm>> -> memref<128x128xf32, #tpu.memory_space<hbm>>
    %dma_wait3A_1077 = arith.constant 0 : i32
    %dma_wait3A_1078 = arith.constant 0 : i32
    %dma_wait3A_1079 = tpu.memref_slice %arg6[%dma_wait3A_1070, %dma_wait3A_1077, %dma_wait3A_1078] : memref<2x128x128xf32, #tpu.memory_space<vmem>> -> memref<1x128x128xf32, #tpu.memory_space<vmem>>
    %dma_wait3A_1080 = tpu.memref_squeeze %dma_wait3A_1079 : memref<1x128x128xf32, #tpu.memory_space<vmem>> -> memref<128x128xf32, #tpu.memory_space<vmem>>
    %dma_wait3A_1081 = arith.constant 0 : i32
    %dma_wait3A_1082 = tpu.memref_slice %arg3[%mul3A_2, %dma_wait3A_1081] : memref<320000x128xf32, #tpu.memory_space<hbm>> -> memref<128x128xf32, #tpu.memory_space<hbm>>
    tpu.wait_dma2 semaphore(%arg9 : memref<!tpu.dma_semaphore, #tpu.memory_space<semaphore_mem>>) src(%dma_wait3A_1082 : memref<128x128xf32, #tpu.memory_space<hbm>>) dst(%dma_wait3A_1080 : memref<128x128xf32, #tpu.memory_space<vmem>>)
    %lt3A_1083 = arith.constant 4 : i32
    %lt3A_1084 = arith.cmpi slt, %add3A, %lt3A_1083 : i32
    %convert_element_type3A_1085 = arith.extui %lt3A_1084 : i1 to i32
    %cond3A_1086 = arith.constant 0 : i32
    %cond3A_1087 = arith.constant 0 : i32
    %cond3A_1088 = arith.cmpi ne, %convert_element_type3A_1085, %cond3A_1087 : i32
    scf.if %cond3A_1088 {
      %mul3A_1095 = arith.constant 128 : i32
      %mul3A_1096 = arith.muli %add3A, %mul3A_1095 : i32
      %add3A_1097 = arith.constant 319488 : i32
      %add3A_1098 = arith.addi %add3A_1097, %mul3A_1096 : i32
      "tpu.region"() ({
        %run_scoped3A = tpu.sem_alloc : memref<!tpu.dma_semaphore, #tpu.memory_space<semaphore_mem>>
        %dma_start3A_1099 = arith.constant 0 : i32
        %dma_start3A_1100 = arith.constant 0 : i32
        %dma_start3A_1101 = tpu.memref_slice %arg6[%cond3A_1086, %dma_start3A_1099, %dma_start3A_1100] : memref<2x128x128xf32, #tpu.memory_space<vmem>> -> memref<1x128x128xf32, #tpu.memory_space<vmem>>
        %dma_start3A_1102 = tpu.memref_squeeze %dma_start3A_1101 : memref<1x128x128xf32, #tpu.memory_space<vmem>> -> memref<128x128xf32, #tpu.memory_space<vmem>>
        %dma_start3A_1103 = arith.constant 0 : i32
        %dma_start3A_1104 = tpu.memref_slice %arg3[%add3A_1098, %dma_start3A_1103] : memref<320000x128xf32, #tpu.memory_space<hbm>> -> memref<128x128xf32, #tpu.memory_space<hbm>>
        %dma_start3A_1105 = arith.constant 0 : i32
        %dma_start3A_1106 = arith.constant 0 : i32
        %dma_start3A_1107 = tpu.memref_slice %arg6[%cond3A_1086, %dma_start3A_1105, %dma_start3A_1106] : memref<2x128x128xf32, #tpu.memory_space<vmem>> -> memref<1x128x128xf32, #tpu.memory_space<vmem>>
        %dma_start3A_1108 = tpu.memref_squeeze %dma_start3A_1107 : memref<1x128x128xf32, #tpu.memory_space<vmem>> -> memref<128x128xf32, #tpu.memory_space<vmem>>
        %dma_start3A_1109 = arith.constant 0 : i32
        %dma_start3A_1110 = tpu.memref_slice %arg3[%add3A_1098, %dma_start3A_1109] : memref<320000x128xf32, #tpu.memory_space<hbm>> -> memref<128x128xf32, #tpu.memory_space<hbm>>
        tpu.enqueue_dma source(%dma_start3A_1110 : memref<128x128xf32, #tpu.memory_space<hbm>>) target(%dma_start3A_1108 : memref<128x128xf32, #tpu.memory_space<vmem>>) target_semaphore(%run_scoped3A : memref<!tpu.dma_semaphore, #tpu.memory_space<semaphore_mem>>)
        %dma_wait3A_1111 = arith.constant 0 : i32
        %dma_wait3A_1112 = arith.constant 0 : i32
        %dma_wait3A_1113 = tpu.memref_slice %arg6[%cond3A_1086, %dma_wait3A_1111, %dma_wait3A_1112] : memref<2x128x128xf32, #tpu.memory_space<vmem>> -> memref<1x128x128xf32, #tpu.memory_space<vmem>>
        %dma_wait3A_1114 = tpu.memref_squeeze %dma_wait3A_1113 : memref<1x128x128xf32, #tpu.memory_space<vmem>> -> memref<128x128xf32, #tpu.memory_space<vmem>>
        %dma_wait3A_1115 = arith.constant 0 : i32
        %dma_wait3A_1116 = tpu.memref_slice %arg3[%add3A_1098, %dma_wait3A_1115] : memref<320000x128xf32, #tpu.memory_space<hbm>> -> memref<128x128xf32, #tpu.memory_space<hbm>>
        %dma_wait3A_1117 = arith.constant 0 : i32
        %dma_wait3A_1118 = arith.constant 0 : i32
        %dma_wait3A_1119 = tpu.memref_slice %arg6[%cond3A_1086, %dma_wait3A_1117, %dma_wait3A_1118] : memref<2x128x128xf32, #tpu.memory_space<vmem>> -> memref<1x128x128xf32, #tpu.memory_space<vmem>>
        %dma_wait3A_1120 = tpu.memref_squeeze %dma_wait3A_1119 : memref<1x128x128xf32, #tpu.memory_space<vmem>> -> memref<128x128xf32, #tpu.memory_space<vmem>>
        %dma_wait3A_1121 = arith.constant 0 : i32
        %dma_wait3A_1122 = tpu.memref_slice %arg3[%add3A_1098, %dma_wait3A_1121] : memref<320000x128xf32, #tpu.memory_space<hbm>> -> memref<128x128xf32, #tpu.memory_space<hbm>>
        tpu.wait_dma2 semaphore(%run_scoped3A : memref<!tpu.dma_semaphore, #tpu.memory_space<semaphore_mem>>) src(%dma_wait3A_1122 : memref<128x128xf32, #tpu.memory_space<hbm>>) dst(%dma_wait3A_1120 : memref<128x128xf32, #tpu.memory_space<vmem>>)
        tpu.yield
      }) : () -> ()
      "tpu.region"() ({
        %run_scoped3A = tpu.sem_alloc : memref<!tpu.dma_semaphore, #tpu.memory_space<semaphore_mem>>
        %dma_start3A_1099 = arith.constant 0 : i32
        %dma_start3A_1100 = arith.constant 0 : i32
        %dma_start3A_1101 = tpu.memref_slice %arg6[%cond3A_1086, %dma_start3A_1099, %dma_start3A_1100] : memref<2x128x128xf32, #tpu.memory_space<vmem>> -> memref<1x128x128xf32, #tpu.memory_space<vmem>>
        %dma_start3A_1102 = tpu.memref_squeeze %dma_start3A_1101 : memref<1x128x128xf32, #tpu.memory_space<vmem>> -> memref<128x128xf32, #tpu.memory_space<vmem>>
        %dma_start3A_1103 = arith.constant 9984 : i32
        %dma_start3A_1104 = tpu.memref_slice %arg5[%dma_start3A_1103] : memref<10112xi32, #tpu.memory_space<vmem>> -> memref<128xi32, #tpu.memory_space<vmem>>
        %dma_start3A_1105 = arith.constant 0 : i32
        %dma_start3A_1106 = arith.constant 0 : i32
        %dma_start3A_1107 = tpu.memref_slice %arg8[%dma_start3A_1105, %dma_start3A_1106] : memref<10000x128xf32, #tpu.memory_space<vmem_shared>> -> memref<10000x128xf32, #tpu.memory_space<vmem_shared>>
        tpu.enqueue_indirect_dma source(%dma_start3A_1102 : memref<128x128xf32, #tpu.memory_space<vmem>>) target(%dma_start3A_1107 : memref<10000x128xf32, #tpu.memory_space<vmem_shared>>) offsets(%dma_start3A_1104 : memref<128xi32, #tpu.memory_space<vmem>>) semaphore(%run_scoped3A : memref<!tpu.dma_semaphore, #tpu.memory_space<semaphore_mem>>) {add = true}
        %dma_wait3A_1108 = arith.constant 0 : i32
        %dma_wait3A_1109 = arith.constant 0 : i32
        %dma_wait3A_1110 = tpu.memref_slice %arg6[%cond3A_1086, %dma_wait3A_1108, %dma_wait3A_1109] : memref<2x128x128xf32, #tpu.memory_space<vmem>> -> memref<1x128x128xf32, #tpu.memory_space<vmem>>
        %dma_wait3A_1111 = tpu.memref_squeeze %dma_wait3A_1110 : memref<1x128x128xf32, #tpu.memory_space<vmem>> -> memref<128x128xf32, #tpu.memory_space<vmem>>
        %dma_wait3A_1112 = arith.constant 9984 : i32
        %dma_wait3A_1113 = tpu.memref_slice %arg5[%dma_wait3A_1112] : memref<10112xi32, #tpu.memory_space<vmem>> -> memref<128xi32, #tpu.memory_space<vmem>>
        %dma_wait3A_1114 = arith.constant 0 : i32
        %dma_wait3A_1115 = arith.constant 0 : i32
        %dma_wait3A_1116 = tpu.memref_slice %arg8[%dma_wait3A_1114, %dma_wait3A_1115] : memref<10000x128xf32, #tpu.memory_space<vmem_shared>> -> memref<10000x128xf32, #tpu.memory_space<vmem_shared>>
        tpu.wait_indirect_dma semaphore(%run_scoped3A : memref<!tpu.dma_semaphore, #tpu.memory_space<semaphore_mem>>) src(%dma_wait3A_1111 : memref<128x128xf32, #tpu.memory_space<vmem>>) dst(%dma_wait3A_1116 : memref<10000x128xf32, #tpu.memory_space<vmem_shared>>)
        tpu.yield
      }) : () -> ()
    } else {
    }
    %barrier3A_1089 = arith.constant 0 : index
    tpu.barrier barrier_id(%barrier3A_1089)
    %lt3A_1090 = arith.constant 10 : i32
    %lt3A_1091 = arith.cmpi slt, %arg1, %lt3A_1090 : i32
    %convert_element_type3A_1092 = arith.extui %lt3A_1091 : i1 to i32
    %cond3A_1093 = arith.constant 0 : i32
    %cond3A_1094 = arith.cmpi ne, %convert_element_type3A_1092, %cond3A_1093 : i32
    scf.if %cond3A_1094 {
      %mul3A_1095 = arith.constant 1000 : i32
      %mul3A_1096 = arith.muli %arg1, %mul3A_1095 : i32
      %mul3A_1097 = arith.constant 1000 : i32
      %mul3A_1098 = arith.muli %arg1, %mul3A_1097 : i32
      "tpu.region"() ({
        %run_scoped3A = tpu.sem_alloc : memref<!tpu.dma_semaphore, #tpu.memory_space<semaphore_mem>>
        %dma_start3A_1099 = arith.constant 0 : i32
        %dma_start3A_1100 = tpu.memref_slice %arg4[%arg0, %mul3A_1098, %dma_start3A_1099] : memref<2x10000x128xf32, #tpu.memory_space<hbm>> -> memref<1x1000x128xf32, #tpu.memory_space<hbm>>
        %dma_start3A_1101 = tpu.memref_squeeze %dma_start3A_1100 : memref<1x1000x128xf32, #tpu.memory_space<hbm>> -> memref<1000x128xf32, #tpu.memory_space<hbm>>
        %dma_start3A_1102 = arith.constant 0 : i32
        %dma_start3A_1103 = tpu.memref_slice %arg8[%mul3A_1096, %dma_start3A_1102] : memref<10000x128xf32, #tpu.memory_space<vmem_shared>> -> memref<1000x128xf32, #tpu.memory_space<vmem_shared>>
        tpu.enqueue_dma source(%dma_start3A_1103 : memref<1000x128xf32, #tpu.memory_space<vmem_shared>>) target(%dma_start3A_1101 : memref<1000x128xf32, #tpu.memory_space<hbm>>) target_semaphore(%run_scoped3A : memref<!tpu.dma_semaphore, #tpu.memory_space<semaphore_mem>>)
        %dma_wait3A_1104 = arith.constant 0 : i32
        %dma_wait3A_1105 = tpu.memref_slice %arg4[%arg0, %mul3A_1098, %dma_wait3A_1104] : memref<2x10000x128xf32, #tpu.memory_space<hbm>> -> memref<1x1000x128xf32, #tpu.memory_space<hbm>>
        %dma_wait3A_1106 = tpu.memref_squeeze %dma_wait3A_1105 : memref<1x1000x128xf32, #tpu.memory_space<hbm>> -> memref<1000x128xf32, #tpu.memory_space<hbm>>
        %dma_wait3A_1107 = arith.constant 0 : i32
        %dma_wait3A_1108 = tpu.memref_slice %arg8[%mul3A_1096, %dma_wait3A_1107] : memref<10000x128xf32, #tpu.memory_space<vmem_shared>> -> memref<1000x128xf32, #tpu.memory_space<vmem_shared>>
        tpu.wait_dma2 semaphore(%run_scoped3A : memref<!tpu.dma_semaphore, #tpu.memory_space<semaphore_mem>>) src(%dma_wait3A_1108 : memref<1000x128xf32, #tpu.memory_space<vmem_shared>>) dst(%dma_wait3A_1106 : memref<1000x128xf32, #tpu.memory_space<hbm>>)
        tpu.yield
      }) : () -> ()
    } else {
    }
    return
  }
}

module attributes {stable_mosaic.version = 14 : i64} {
  func.func @_mlp_b_body(%arg0: i32, %arg1: memref<5000x128xf32, #tpu.memory_space<vmem>>, %arg2: memref<2x5000x128xf32, #tpu.memory_space<vmem>>, %arg3: memref<128x128xf32, #tpu.memory_space<vmem>>, %arg4: memref<128x128xf32, #tpu.memory_space<vmem>>, %arg5: memref<1x128xf32, #tpu.memory_space<vmem>>, %arg6: memref<5000x128xf32, #tpu.memory_space<vmem>>) attributes {dimension_semantics = [#tpu.dimension_semantics<arbitrary>], iteration_bounds = array<i64: 2>, scalar_prefetch = 0 : i64, scratch_operands = 0 : i64, tpu.core_type = #tpu.core_type<tc>, window_params = [{transform_indices = @transform_0, window_bounds = array<i64: 5000, 128>}, {transform_indices = @transform_1, window_bounds = array<i64: 2, 5000, 128>}, {pipeline_mode = #tpu.pipeline_mode<synchronous>, transform_indices = @transform_2, window_bounds = array<i64: 128, 128>}, {pipeline_mode = #tpu.pipeline_mode<synchronous>, transform_indices = @transform_3, window_bounds = array<i64: 128, 128>}, {pipeline_mode = #tpu.pipeline_mode<synchronous>, transform_indices = @transform_4, window_bounds = array<i64: 1, 128>}, {transform_indices = @transform_5, window_bounds = array<i64: 5000, 128>}]} {
    %get3A = arith.constant 0 : index
    %get3A_0 = arith.constant 0 : index
    %get3A_1 = arith.constant 0 : index
    %get3A_2 = vector.load %arg2[%get3A, %get3A_0, %get3A_1] : memref<2x5000x128xf32, #tpu.memory_space<vmem>>, vector<1x5000x128xf32>
    %get3A_3 = vector.shape_cast %get3A_2 : vector<1x5000x128xf32> to vector<5000x128xf32>
    %get3A_4 = arith.constant 1 : index
    %get3A_5 = arith.constant 0 : index
    %get3A_6 = arith.constant 0 : index
    %get3A_7 = vector.load %arg2[%get3A_4, %get3A_5, %get3A_6] : memref<2x5000x128xf32, #tpu.memory_space<vmem>>, vector<1x5000x128xf32>
    %get3A_8 = vector.shape_cast %get3A_7 : vector<1x5000x128xf32> to vector<5000x128xf32>
    %add3A = arith.addf %get3A_3, %get3A_8 : vector<5000x128xf32>
    %get3A_9 = arith.constant 0 : index
    %get3A_10 = arith.constant 0 : index
    %get3A_11 = vector.load %arg1[%get3A_9, %get3A_10] : memref<5000x128xf32, #tpu.memory_space<vmem>>, vector<5000x128xf32>
    %get3A_12 = arith.constant 0 : index
    %get3A_13 = arith.constant 0 : index
    %get3A_14 = vector.load %arg3[%get3A_12, %get3A_13] : memref<128x128xf32, #tpu.memory_space<vmem>>, vector<128x128xf32>
    %dot_general3A = arith.constant dense<0.000000e+00> : vector<5000x128xf32>
    %dot_general3A_15 = tpu.matmul %add3A, %get3A_14, %dot_general3A {dimension_numbers = #tpu.dot_dimension_numbers<[1], [0], [0], [1], [0, 0, 1, 1], [], []>, transpose_lhs_hint = false} : vector<5000x128xf32>, vector<128x128xf32>, vector<5000x128xf32> -> vector<5000x128xf32>
    %add3A_16 = arith.addf %get3A_11, %dot_general3A_15 : vector<5000x128xf32>
    %max3A = arith.constant 0.000000e+00 : f32
    %max3A_17 = vector.broadcast %max3A : f32 to vector<5000x128xf32>
    %max3A_18 = arith.maximumf %add3A_16, %max3A_17 : vector<5000x128xf32>
    %get3A_19 = arith.constant 0 : index
    %get3A_20 = arith.constant 0 : index
    %get3A_21 = vector.load %arg4[%get3A_19, %get3A_20] : memref<128x128xf32, #tpu.memory_space<vmem>>, vector<128x128xf32>
    %dot_general3A_22 = arith.constant dense<0.000000e+00> : vector<5000x128xf32>
    %dot_general3A_23 = tpu.matmul %max3A_18, %get3A_21, %dot_general3A_22 {dimension_numbers = #tpu.dot_dimension_numbers<[1], [0], [0], [1], [0, 0, 1, 1], [], []>, transpose_lhs_hint = false} : vector<5000x128xf32>, vector<128x128xf32>, vector<5000x128xf32> -> vector<5000x128xf32>
    %get3A_24 = arith.constant 0 : index
    %get3A_25 = arith.constant 0 : index
    %get3A_26 = vector.load %arg5[%get3A_24, %get3A_25] : memref<1x128xf32, #tpu.memory_space<vmem>>, vector<1x128xf32>
    %add3A_27 = vector.broadcast %get3A_26 : vector<1x128xf32> to vector<5000x128xf32>
    %add3A_28 = arith.addf %dot_general3A_23, %add3A_27 : vector<5000x128xf32>
    %swap3A = arith.constant 0 : index
    %swap3A_29 = arith.constant 0 : index
    %swap3A_30 = vector.load %arg6[%swap3A, %swap3A_29] : memref<5000x128xf32, #tpu.memory_space<vmem>>, vector<5000x128xf32>
    tpu.vector_store %arg6[%swap3A, %swap3A_29], %add3A_28 {strides = array<i32>} : memref<5000x128xf32, #tpu.memory_space<vmem>>, vector<5000x128xf32>,
    return
  }
  func.func @transform_0(%arg0: i32) -> (i32, i32) {
    %c0_i32 = arith.constant 0 : i32
    %c0_i32_0 = arith.constant 0 : i32
    return %arg0, %c0_i32 : i32, i32
  }
  func.func @transform_1(%arg0: i32) -> (i32, i32, i32) {
    %c0_i32 = arith.constant 0 : i32
    %c0_i32_0 = arith.constant 0 : i32
    %c0_i32_1 = arith.constant 0 : i32
    return %c0_i32, %arg0, %c0_i32_0 : i32, i32, i32
  }
  func.func @transform_2(%arg0: i32) -> (i32, i32) {
    %c0_i32 = arith.constant 0 : i32
    %c0_i32_0 = arith.constant 0 : i32
    %c0_i32_1 = arith.constant 0 : i32
    return %c0_i32, %c0_i32_0 : i32, i32
  }
  func.func @transform_3(%arg0: i32) -> (i32, i32) {
    %c0_i32 = arith.constant 0 : i32
    %c0_i32_0 = arith.constant 0 : i32
    %c0_i32_1 = arith.constant 0 : i32
    return %c0_i32, %c0_i32_0 : i32, i32
  }
  func.func @transform_4(%arg0: i32) -> (i32, i32) {
    %c0_i32 = arith.constant 0 : i32
    %c0_i32_0 = arith.constant 0 : i32
    %c0_i32_1 = arith.constant 0 : i32
    return %c0_i32, %c0_i32_0 : i32, i32
  }
  func.func @transform_5(%arg0: i32) -> (i32, i32) {
    %c0_i32 = arith.constant 0 : i32
    %c0_i32_0 = arith.constant 0 : i32
    return %arg0, %c0_i32 : i32, i32
  }
}

module attributes {stable_mosaic.version = 14 : i64} {
  func.func @_mlp_a_body(%arg0: i32, %arg1: memref<5000x128xf32, #tpu.memory_space<vmem>>, %arg2: memref<128x128xf32, #tpu.memory_space<vmem>>, %arg3: memref<1x128xf32, #tpu.memory_space<vmem>>, %arg4: memref<5000x128xf32, #tpu.memory_space<vmem>>) attributes {dimension_semantics = [#tpu.dimension_semantics<arbitrary>], iteration_bounds = array<i64: 2>, scalar_prefetch = 0 : i64, scratch_operands = 0 : i64, tpu.core_type = #tpu.core_type<tc>, window_params = [{transform_indices = @transform_0, window_bounds = array<i64: 5000, 128>}, {pipeline_mode = #tpu.pipeline_mode<synchronous>, transform_indices = @transform_1, window_bounds = array<i64: 128, 128>}, {pipeline_mode = #tpu.pipeline_mode<synchronous>, transform_indices = @transform_2, window_bounds = array<i64: 1, 128>}, {transform_indices = @transform_3, window_bounds = array<i64: 5000, 128>}]} {
    %get3A = arith.constant 0 : index
    %get3A_0 = arith.constant 0 : index
    %get3A_1 = vector.load %arg1[%get3A, %get3A_0] : memref<5000x128xf32, #tpu.memory_space<vmem>>, vector<5000x128xf32>
    %get3A_2 = arith.constant 0 : index
    %get3A_3 = arith.constant 0 : index
    %get3A_4 = vector.load %arg2[%get3A_2, %get3A_3] : memref<128x128xf32, #tpu.memory_space<vmem>>, vector<128x128xf32>
    %dot_general3A = arith.constant dense<0.000000e+00> : vector<5000x128xf32>
    %dot_general3A_5 = tpu.matmul %get3A_1, %get3A_4, %dot_general3A {dimension_numbers = #tpu.dot_dimension_numbers<[1], [0], [0], [1], [0, 0, 1, 1], [], []>, transpose_lhs_hint = false} : vector<5000x128xf32>, vector<128x128xf32>, vector<5000x128xf32> -> vector<5000x128xf32>
    %get3A_6 = arith.constant 0 : index
    %get3A_7 = arith.constant 0 : index
    %get3A_8 = vector.load %arg3[%get3A_6, %get3A_7] : memref<1x128xf32, #tpu.memory_space<vmem>>, vector<1x128xf32>
    %add3A = vector.broadcast %get3A_8 : vector<1x128xf32> to vector<5000x128xf32>
    %add3A_9 = arith.addf %dot_general3A_5, %add3A : vector<5000x128xf32>
    %swap3A = arith.constant 0 : index
    %swap3A_10 = arith.constant 0 : index
    %swap3A_11 = vector.load %arg4[%swap3A, %swap3A_10] : memref<5000x128xf32, #tpu.memory_space<vmem>>, vector<5000x128xf32>
    tpu.vector_store %arg4[%swap3A, %swap3A_10], %add3A_9 {strides = array<i32>} : memref<5000x128xf32, #tpu.memory_space<vmem>>, vector<5000x128xf32>,
    return
  }
  func.func @transform_0(%arg0: i32) -> (i32, i32) {
    %c0_i32 = arith.constant 0 : i32
    %c0_i32_0 = arith.constant 0 : i32
    return %arg0, %c0_i32 : i32, i32
  }
  func.func @transform_1(%arg0: i32) -> (i32, i32) {
    %c0_i32 = arith.constant 0 : i32
    %c0_i32_0 = arith.constant 0 : i32
    %c0_i32_1 = arith.constant 0 : i32
    return %c0_i32, %c0_i32_0 : i32, i32
  }
  func.func @transform_2(%arg0: i32) -> (i32, i32) {
    %c0_i32 = arith.constant 0 : i32
    %c0_i32_0 = arith.constant 0 : i32
    %c0_i32_1 = arith.constant 0 : i32
    return %c0_i32, %c0_i32_0 : i32, i32
  }
  func.func @transform_3(%arg0: i32) -> (i32, i32) {
    %c0_i32 = arith.constant 0 : i32
    %c0_i32_0 = arith.constant 0 : i32
    return %arg0, %c0_i32 : i32, i32
  }
}

</mosaic_0001>

<sc_bundles>
// kernel: kernel.5.cloned.1.call-start
scs
__scs_entry_jumppad:
0x0: {  	(pc) =	sbr.rel $0x88, $3  }
0x1: {  	(tag) =	ssettag $0x0;
	lr =	simm.s32 $0x1  }
0x2: {  	[smem:$0x3F9A] =	sst lr;
	_ =	strace $0xD0000000  }
0x3: {  	_ = 	snop  }
0x4: {  	_ = 	snop  }
0x5: {  	_ = 	snop  }
0x6: {  	_ = 	snop  }
0x7: {  	_ = 	snop  }
__scs_overlays_trampoline_lowered:
0x8: {  	[smem:$0x3FA9] =	sst s0  }
0x9: {  	[smem:$0x3FAA] =	sst s1  }
0xa: {  	[smem:$0x3FAB] =	sst s2  }
0xb: {  	[smem:$0x3FAC] =	sst s3  }
0xc: {  	[smem:$0x3FAD] =	sst s4  }
0xd: {  	[smem:$0x3FAE] =	sst s5  }
0xe: {  	[smem:$0x3FAF] =	sst s6  }
0xf: {  	[smem:$0x3FB0] =	sst s7  }
0x10: {  	[smem:$0x3FB1] =	sst s8  }
0x11: {  	[smem:$0x3FB2] =	sst s9;
	s0 =	simm.s32 @!p0 $0x0  }
0x12: {  	s1 =	sld [smem:$0x3F98];
	s0 =	simm.s32 @p0 $0x1  }
0x13: {  	[smem:$0x3FB3] =	sst s0;
	s0 =	simm.s32 @!p1 $0x0  }
0x14: {  	s2 =	sld [smem:$0x3F97];
	s0 =	simm.s32 @p1 $0x1  }
0x15: {  	[smem:$0x3FB4] =	sst s0;
	s0 =	simm.s32 @!p2 $0x0  }
0x16: {  	s3 =	sld [smem:$0x3FDB];
	s0 =	simm.s32 @p2 $0x1  }
0x17: {  	s4 =	simm.s32 $0x1BF5;
	[smem:$0x3FB6] =	sst s0  }
0x18: {  	s0 =	sld [smem:$0x3F99];
	_ =	swait.ge [sflag:s4], $0x0  }
0x19: {  	s7 =	sld [smem:$0x3F9A]  }
0x1a: {  	s8 =	sadd.s32 $0xFFFFE003, lr  }
0x1b: {  	s9 =	sadd.s32 $0xFFFFFEF7, lr;
	s5 =	simm.s32 $0xFFFFFFFF;
	p2 =	slt.u32 s8, $0xFFFFF086  }
0x1c: {  	p1 =	slt.u32 s9, $0xF7A;
	s5 =	simm.s32 @!p2 $0x0  }
0x1d: {  	s5 =	simm.s32 @p1 $0x1;
	p0 =	seq.s32 s7, s2  }
0x1e: {  	s7 =	smul.u32 @!p0 $0xF7A, s2;
	p2 =	seq.s32 @!p0 s5, $0x0  }
0x1f: {  	s9 =	smul.u32 $0xF7A, s1;
	s8 =	simm.s32 @!p0 $0x1BF5;
	p2 =	por !p2, p0  }
0x20: {  	[sflag:s8] =	ssyncset.s32 @!p0 $0xFFFFF086;
	s6 =	sadd.s32 @!p0 s3, s7;
	s7 =	simm.s32 @!p0 $0x108  }
0x21: {  	s3 =	sadd.s32 s3, s9;
	s6 =	sadd.s32 @!p0 $0x88, s6;
	s7 =	simm.s32 @p2 $0x1082  }
0x22: {  	[simem:s7], [sflag:s8] =	dma.local @!p0 [hbm:s6], $0xF7A  }
0x23: {  	s9 =	sor.u32 $0xD0000000, s2;
	s6 =	simm.s32 $0x108;
	_ =	swait.ge @!p0 [sflag:s8], $0x0  }
0x24: {  	s3 =	sadd.s32 $0x88, s3;
	s6 =	simm.s32 @!p1 $0x1082;
	[sflag:s4] =	ssyncset.s32 $0xFFFFF086  }
0x25: {  	[simem:s6], [sflag:s4] =	dma.local [hbm:s3], $0xF7A  }
0x26: {  	[smem:$0x3F9A] =	sst s1;
	(tag) =	ssettag s2;
	_ =	strace s9  }
0x27: {  	s1 =	sld [smem:$0x3FAA]  }
0x28: {  	s2 =	sld [smem:$0x3FAB]  }
0x29: {  	s4 =	sld [smem:$0x3FAD]  }
0x2a: {  	p0 =	seq.s32 s5, $0x0;
	s5 =	sld [smem:$0x3FAE]  }
0x2b: {  	s6 =	sld [smem:$0x3FAF]  }
0x2c: {  	s7 =	sld [smem:$0x3FB0]  }
0x2d: {  	s3 =	simm.s32 $0x108;
	s8 =	sld [smem:$0x3FB1]  }
0x2e: {  	s3 =	simm.s32 @!p0 $0x1082;
	s9 =	sld [smem:$0x3FB2]  }
0x2f: {  	lr =	sadd.s32 s0, s3;
	s0 =	sld [smem:$0x3FA9]  }
0x30: {  	s3 =	sld [smem:$0x3FAC]  }
0x31: {  	[smem:$0x3FB5] =	sst s10  }
0x32: {  	s10 =	sld [smem:$0x3FB3];
	_ =	sdelay $0x3  }
0x33: {  	p0 =	seq.s32 s10, $0x1;
	s10 =	sld [smem:$0x3FB5];
	_ =	sdelay $0x3  }
0x34: {  	[smem:$0x3FB5] =	sst s10  }
0x35: {  	s10 =	sld [smem:$0x3FB4];
	_ =	sdelay $0x3  }
0x36: {  	p1 =	seq.s32 s10, $0x1;
	s10 =	sld [smem:$0x3FB5];
	_ =	sdelay $0x3  }
0x37: {  	[smem:$0x3FB5] =	sst s10  }
0x38: {  	s10 =	sld [smem:$0x3FB6]  }
0x39: {  	_ = 	snop;
	(pc) =	sbr.ind lr, $3  }
0x3a: {  	_ = 	snop  }
0x3b: {  	_ = 	snop  }
0x3c: {  	p2 =	seq.s32 s10, $0x1;
	s10 =	sld [smem:$0x3FB5]  }
0x3d: {  	_ =	shalt  }
0x3e: {  	_ =	shalt  }
0x3f: {  	_ =	shalt  }
0x40: {  	_ =	shalt  }
0x41: {  	_ =	shalt  }
0x42: {  	_ =	shalt  }
0x43: {  	_ =	shalt  }
0x44: {  	_ =	shalt  }
0x45: {  	_ =	shalt  }
0x46: {  	_ =	shalt  }
0x47: {  	_ =	shalt  }
0x48: {  	_ =	shalt  }
0x49: {  	_ =	shalt  }
0x4a: {  	_ =	shalt  }
0x4b: {  	_ =	shalt  }
0x4c: {  	_ =	shalt  }
0x4d: {  	_ =	shalt  }
0x4e: {  	_ =	shalt  }
0x4f: {  	_ =	shalt  }
0x50: {  	_ =	shalt  }
0x51: {  	_ =	shalt  }
0x52: {  	_ =	shalt  }
0x53: {  	_ =	shalt  }
0x54: {  	_ =	shalt  }
0x55: {  	_ =	shalt  }
0x56: {  	_ =	shalt  }
0x57: {  	_ =	shalt  }
0x58: {  	_ =	shalt  }
0x59: {  	_ =	shalt  }
0x5a: {  	_ =	shalt  }
0x5b: {  	_ =	shalt  }
0x5c: {  	_ =	shalt  }
0x5d: {  	_ =	shalt  }
0x5e: {  	_ =	shalt  }
0x5f: {  	_ =	shalt  }
0x60: {  	_ =	shalt  }
0x61: {  	_ =	shalt  }
0x62: {  	_ =	shalt  }
0x63: {  	_ =	shalt  }
0x64: {  	_ =	shalt  }
0x65: {  	_ =	shalt  }
0x66: {  	_ =	shalt  }
0x67: {  	_ =	shalt  }
0x68: {  	_ =	shalt  }
0x69: {  	_ =	shalt  }
0x6a: {  	_ =	shalt  }
0x6b: {  	_ =	shalt  }
0x6c: {  	_ =	shalt  }
0x6d: {  	_ =	shalt  }
0x6e: {  	_ =	shalt  }
0x6f: {  	_ =	shalt  }
0x70: {  	_ =	shalt  }
0x71: {  	_ =	shalt  }
0x72: {  	_ =	shalt  }
0x73: {  	_ =	shalt  }
0x74: {  	_ =	shalt  }
0x75: {  	_ =	shalt  }
0x76: {  	_ =	shalt  }
0x77: {  	_ =	shalt  }
0x78: {  	_ =	shalt  }
0x79: {  	_ =	shalt  }
0x7a: {  	_ =	shalt  }
0x7b: {  	_ =	shalt  }
0x7c: {  	_ =	shalt  }
0x7d: {  	_ =	shalt  }
0x7e: {  	_ =	shalt  }
0x7f: {  	_ =	shalt  }
0x80: {  	_ =	shalt  }
0x81: {  	_ =	shalt  }
0x82: {  	_ =	shalt  }
0x83: {  	_ =	shalt  }
0x84: {  	_ =	shalt  }
0x85: {  	_ =	shalt  }
0x86: {  	_ =	shalt  }
0x87: {  	_ =	shalt  }
.Lfunc_end0:
.L_simem_size_0:
called_computation_lowered:
.L_overlay_start_0:
0x88: {  	s2 =	sld [smem:$0x3FD9]  }
0x89: {  	s3 =	sld [smem:$0x3FFE];
	_ =	sdelay $0x1  }
0x8a: {  	s1 =	srdreg.scid  }
0x8b: {  	s0 =	sand.u32 $0x1, s1  }
0x8c: {  	s17 =	sshll.u32 s0, $0xA;
	s2 =	sadd.s32 s3, s2  }
0x8d: {  	s2 =	sadd.s32 s2, s17  }
0x8e: {  	[smem:$0x3FC1] =	sst s2  }
0x8f: {  	_ = 	snop  }
0x90: {  	s2 =	sld [smem:$0x3FC8]  }
0x91: {  	s18 =	sld [smem:$0x3FC7];
	(tm) =	ssettm $0x1  }
0x92: {  	s4 =	sld [smem:$0x3FFB];
	_ =	sdelay $0x3  }
0x93: {  	_ =	strace s4  }
0x94: {  	s4 =	sld [smem:$0x3FFC];
	_ =	sdelay $0x3  }
0x95: {  	_ =	strace s4  }
0x96: {  	s4 =	sld [smem:$0x3FFD];
	_ =	sdelay $0x3  }
0x97: {  	_ =	strace s4  }
0x98: {  	_ =	strace $0x8FFFFFFF  }
0x99: {  	s19 =	sld [smem:$0x3FDB];
	_ =	sdelay $0x1  }
0x9a: {  	s5 =	simm.s32 $_scs_section_size  }
0x9b: {  	s6 =	simm.s32 $_size__tile_overlayer_lowered;
	s7 =	simm.s32 $_tile_overlayer_lowered  }
0x9c: {  	s22 =	simm.s32 $0x1BFF;
	s21 =	sshll.u32 s7, $0x1;
	s4 =	sadd.s32 s5, s19  }
0x9d: {  	s8 =	simm.s32 $0x0;
	s20 =	sshll.u32 s6, $0x1;
	s6 =	sadd.s32 s21, s4  }
0x9e: {  	[timem:s8], [sflag:s22] =	dma.local [hbm:s6], s20  }
0x9f: {  	_ =	swait.ge [sflag:s22], s20  }
0xa0: {  	s5 =	ssub.s32 $0x0, s20;
	[sflag:s22] =	ssyncset.done $0x0  }
0xa1: {  	[sflag:s22] =	ssyncadd.s32 s5;
	_ =	sdelay $0x1  }
0xa2: {  	s23 =	simm.s32 $0x1B8B  }
0xa3: {  	_ =	swait.ge [sflag:s23], $0x1  }
0xa4: {  	[sflag:s23] =	ssyncset.done $0x0  }
0xa5: {  	s25 =	simm.s32 $0x1B8E;
	s24 =	sld [smem:$0x3FFE];
	[sflag:s23] =	ssyncadd.s32 $0xFFFFFFFF  }
0xa6: {  	s26 =	simm.s32 $execute0_lowered;
	[smem:$0x3FD2] =	sst s25  }
0xa7: {  	s6 =	sshll.u32 s26, $0x1;
	_ =	strace $0x80000046;
	[dreg:$0x1] =	wrdreg $0xFFFFFFFF  }
0xa8: {  	s28 =	simm.s32 $_size_execute0_lowered;
	s4 =	sadd.s32 s4, s6;
	[dreg:$0x0] =	wrdreg $0x0  }
0xa9: {  	s6 =	sshll.u32 s28, $0x1;
	[dreg:$0x2] =	wrdreg s4  }
0xaa: {  	[dreg:$0x3] =	wrdreg s6  }
0xab: {  	[dreg:$0x4] =	wrdreg $0xC0  }
0xac: {  	_ =	task [dreg:s8], $0x5FFFF  }
0xad: {  	[dreg:$0x1] =	wrdreg $0xFFFFFFFF  }
0xae: {  	[dreg:$0x0] =	wrdreg $0x60  }
0xaf: {  	[dreg:$0x2] =	wrdreg s2  }
0xb0: {  	[dreg:$0x3] =	wrdreg s18  }
0xb1: {  	[dreg:$0x4] =	wrdreg s24  }
0xb2: {  	[dreg:$0x5] =	wrdreg $0xAF800  }
0xb3: {  	[dreg:$0x6] =	wrdreg $0x9  }
0xb4: {  	_ =	task.clear_ibuf [dreg:s8], $0x7FFFF;
	_ =	strace $0x90000046  }
0xb5: {  	s29 =	simm.s32 $0x9;
	_ =	strace $0x80000048  }
0xb6: {  	_ =	swait.ge [sflag:s29], $0x1  }
0xb7: {  	[sflag:s29] =	ssyncadd.s32 $0xFFFFFFFF  }
0xb8: {  	_ =	strace $0x90000048  }
0xb9: {  	_ =	sfence  }
0xba: {  	s30 =	sld [smem:$0x0];
	_ =	sdelay $0x2  }
0xbb: {  	s31 =	sshll.u32 s1, $0xD;
	s1 =	sshrl.u32 s1, $0x2  }
0xbc: {  	s3 =	sand.u32 $0x4000, s31;
	s1 =	sadd.s32 s1, s30  }
0xbd: {  	s0 =	sor.u32 s3, s0;
	s1 =	sshll.u32 s1, $0x11  }
0xbe: {  	s0 =	sor.u32 s1, s0  }
0xbf: {  	s0 =	sadd.s32 $0x8F2B, s0  }
0xc0: {  	[sflag:s0] =	ssyncadd.remote.s32 $0x1  }
0xc1: {  	_ =	sfence.sel $0xFFFF  }
0xc2: {  	[dreg:$0x0] =	wrdreg $0xFFFFFFFF;
	(pc) =	sbr.abs _section_cstart, $3  }
0xc3: {  	[dreg:$0x1] =	wrdreg $0xFFFFFFFF  }
0xc4: {  	_ =	task.clear_ibuf [dreg:s8], $0x2FFFF;
	_ =	strace $0x9FFFFFFF  }
0xc5: {  	(tm) =	ssettm $0x7FFFFFFF  }
tec
execute0_lowered:
.L_overlay_start_1:
0x0: {  	(tag) =	ssettag $0x1  }
0x1: {  	s3 =	srdreg.scid  }
0x2: {  	s0 =	rddreg [dreg:$0x0];
	s14 =	sand.u32 $0x1, s3  }
0x3: {  	s3 =	stileid.u32;
	s6 =	smul.u32 $0x138800, s14  }
0x4: {  	s1 =	rddreg [dreg:$0x1];
	s7 =	smul.u32 $0x1F400, s3  }
0x5: {  	s5 =	rddreg [dreg:$0x2];
	s19 =	smul.u32 $0x7D000, s3  }
0x6: {  	s2 =	rddreg [dreg:$0x3];
	s4 =	simm.s32 $0x0;
	s16 =	smul.u32 $0x4E000, s3  }
0x7: {  	[smem:$0x7FF] =	sst s4;
	s28 =	smul.u32 $0x270000, s3  }
0x8: {  	s29 =	simm.s32 $0x0;
	_ =	strace $0x80000047;
	s17 =	smul.u32 $0x138000, s14  }
0x9: {  	s8 =	sshll.u32 s3, $0x1;
	s9 =	ssub.s32 $0x2, s14;
	s18 =	smul.u32 $0x27000, s14  }
0xa: {  	p0 =	slt.u32 s3, $0xA;
	p1 =	sgt.u32 s3, $0x1;
	s8 =	sor.u32 s14, s8  }
0xb: {  	p2 =	sgt.u32 s3, $0x9;
	s20 =	sshrl.u32 s9, $0x1;
	s10 =	smul.u32 $0x9C0, s8  }
0xc: {  	s6 =	sadd.s32 s7, s6;
	s21 =	sshrl.u32 s19, $0x2;
	s24 =	smul.u32 $0x27000, s8  }
0xd: {  	s12 =	ssub.s32 s9, s20;
	s23 =	sshll.u32 s8, $0x5;
	s15 =	smul.u32 $0x138000, s8  }
0xe: {  	s25 =	sshll.u32 s8, $0xB;
	s31 =	sadd.s32 s16, s1;
	s19 =	simm.s32 $0xA780  }
0xf: {  	s20 =	simm.s32 $0x1;
	s6 =	sshrl.u32 s6, $0x3;
	s26 =	sadd.s32 s25, s1  }
0x10: {  	s12 =	smax.u32 s12, $0x1;
	s25 =	simm.s32 $0x2600;
	s11 =	sadd.s32 s6, s5  }
0x11: {  	s5 =	sadd.s32 s0, s10;
	s6 =	sadd.s32 s21, s2;
	s0 =	sadd.s32 s23, s0  }
0x12: {  	s9 =	sadd.s32 s1, s24;
	s10 =	sadd.s32 $0x4E0000, s26;
	s15 =	sshrl.u32 s15, $0x3  }
0x13: {  	s21 =	simm.s32 $0x2;
	s23 =	simm.s32 $0x6780;
	s24 =	simm.s32 $0x3  }
.Ltmp0:
0x14: {  	s26 =	simm.s32 $0x2680;
	s22 =	sadd.s32 $0x1F000, s6;
	(pc) =	sbr.rel .LBB2_1-.Ltmp0, $4  }
0x15: {  	s8 =	sadd.s32 $0x13800, s0;
	s11 =	sadd.s32 $0x1200, s11;
	s13 =	sadd.s32 $0x26800, s9  }
0x16: {  	s30 =	sadd.s32 s1, s15;
	s0 =	sadd.s32 s17, s28;
	s15 =	sadd.s32 s18, s31  }
0x17: {  	s17 =	simm.s32 $0x80;
	s18 =	simm.s32 $0x100;
	[dreg:$0x5] =	wrdreg s22  }
0x18: {  	v0 =	vimm.f32 $0.0e+00;
	s14 =	sadd.s32 $0x26800, s30;
	s16 =	sadd.s32 $0x8000, s0;
	s22 =	simm.s32 $0x2780  }
.LBB2_11:
0x19: {  	[tilespmem:s22], [sflag:$0x3] =	stream.linear.gather [hbm4b:s10+s4], $0x4000, $0x38;
	[tilespmem:$0x1E800] =	vst v63  }
0x1a: {  	_ =	swait.ge [sflag:s24], $0x4000  }
0x1b: {  	[sflag:s24] =	ssyncset.done $0x0  }
0x1c: {  	s0 =	simm.s32 $0x2700;
	[sflag:s24] =	ssyncadd.s32 $0xFFFFC000  }
0x1d: {  	[spmem:s2] =	stream.indirect.scatter.add.f32 [tilespmem:s22], [sflag:$0x3], $0x80, s0, s17, $0xb8;
	[tilespmem:$0x1E800] =	vst v63  }
0x1e: {  	_ =	swait.ge [sflag:s24], $0x4000  }
0x1f: {  	[sflag:s24] =	ssyncset.done $0x0  }
0x20: {  	[sflag:s24] =	ssyncadd.s32 $0xFFFFC000  }
0x21: {  	[bflag:$0x0] =	sbarrier.arrive $0xFFFF  }
.LBB2_13:
0x22: {  	s0 =	stileid.u32  }
0x23: {  	s0 =	sshll.u32 s0, $0x6  }
0x24: {  	s3 =	sshrl.u32 s6, $0x3;
	s0 =	sor.u32 $0x1C03, s0  }
0x25: {  	[hbm:s11], [sflag:s0] =	dma.local [spmem:s3], $0x3E80  }
0x26: {  	_ =	swait.ge [sflag:s24], $0x3E80  }
0x27: {  	[sflag:s24] =	ssyncset.done $0x0  }
0x28: {  	[sflag:s24] =	ssyncadd.s32 $0xFFFFC180  }
.LBB2_14:
0x29: {  	s29 =	sadd.s32 $0x1, s29  }
0x2a: {  	p3 =	sne.s32 s29, s12  }
.Ltmp1:
0x2b: {  	_ = 	snop;
	(pc) =	sbr.rel @!p3 .LBB2_15-.Ltmp1, $1  }
0x2c: {  	_ =	sdelay $0x3  }
.LBB2_1:
0x2d: {  	[tilespmem:s4], [sflag:$0x2] =	stream.strided.gather [hbm4b:s5+s17], $0x2700, s18, s17, $0x38;
	[tilespmem:$0x1E800] =	vst v63  }
0x2e: {  	[tilespmem:$0xA780] =	vst v0  }
0x2f: {  	[tilespmem:$0xA790] =	vst v0  }
0x30: {  	[tilespmem:$0xA7A0] =	vst v0  }
0x31: {  	[tilespmem:$0xA7B0] =	vst v0  }
0x32: {  	[tilespmem:$0xA7C0] =	vst v0  }
0x33: {  	[tilespmem:$0xA7D0] =	vst v0  }
0x34: {  	[tilespmem:$0xA7E0] =	vst v0  }
0x35: {  	[tilespmem:$0xA7F0] =	vst v0  }
0x36: {  	[tilespmem:$0xA800] =	vst v0  }
0x37: {  	[tilespmem:$0xA810] =	vst v0  }
0x38: {  	[tilespmem:$0xA820] =	vst v0  }
0x39: {  	[tilespmem:$0xA830] =	vst v0  }
0x3a: {  	[tilespmem:$0xA840] =	vst v0  }
0x3b: {  	[tilespmem:$0xA850] =	vst v0  }
0x3c: {  	[tilespmem:$0xA860] =	vst v0  }
0x3d: {  	[tilespmem:$0xA870] =	vst v0  }
0x3e: {  	[tilespmem:$0xA880] =	vst v0  }
0x3f: {  	[tilespmem:$0xA890] =	vst v0  }
0x40: {  	[tilespmem:$0xA8A0] =	vst v0  }
0x41: {  	[tilespmem:$0xA8B0] =	vst v0  }
0x42: {  	[tilespmem:$0xA8C0] =	vst v0  }
0x43: {  	[tilespmem:$0xA8D0] =	vst v0  }
0x44: {  	[tilespmem:$0xA8E0] =	vst v0  }
0x45: {  	[tilespmem:$0xA8F0] =	vst v0  }
0x46: {  	[tilespmem:$0xA900] =	vst v0  }
0x47: {  	[tilespmem:$0xA910] =	vst v0  }
0x48: {  	[tilespmem:$0xA920] =	vst v0  }
0x49: {  	[tilespmem:$0xA930] =	vst v0  }
0x4a: {  	[tilespmem:$0xA940] =	vst v0  }
0x4b: {  	[tilespmem:$0xA950] =	vst v0  }
0x4c: {  	[tilespmem:$0xA960] =	vst v0  }
0x4d: {  	[tilespmem:$0xA970] =	vst v0  }
0x4e: {  	[tilespmem:$0xA980] =	vst v0  }
0x4f: {  	[tilespmem:$0xA990] =	vst v0  }
0x50: {  	[tilespmem:$0xA9A0] =	vst v0  }
0x51: {  	[tilespmem:$0xA9B0] =	vst v0  }
0x52: {  	[tilespmem:$0xA9C0] =	vst v0  }
0x53: {  	[tilespmem:$0xA9D0] =	vst v0  }
0x54: {  	[tilespmem:$0xA9E0] =	vst v0  }
0x55: {  	[tilespmem:$0xA9F0] =	vst v0  }
0x56: {  	[tilespmem:$0xAA00] =	vst v0  }
0x57: {  	[tilespmem:$0xAA10] =	vst v0  }
0x58: {  	[tilespmem:$0xAA20] =	vst v0  }
0x59: {  	[tilespmem:$0xAA30] =	vst v0  }
0x5a: {  	[tilespmem:$0xAA40] =	vst v0  }
0x5b: {  	[tilespmem:$0xAA50] =	vst v0  }
0x5c: {  	[tilespmem:$0xAA60] =	vst v0  }
0x5d: {  	[tilespmem:$0xAA70] =	vst v0  }
0x5e: {  	[tilespmem:$0xAA80] =	vst v0  }
0x5f: {  	[tilespmem:$0xAA90] =	vst v0  }
0x60: {  	[tilespmem:$0xAAA0] =	vst v0  }
0x61: {  	[tilespmem:$0xAAB0] =	vst v0  }
0x62: {  	[tilespmem:$0xAAC0] =	vst v0  }
0x63: {  	[tilespmem:$0xAAD0] =	vst v0  }
0x64: {  	[tilespmem:$0xAAE0] =	vst v0  }
0x65: {  	[tilespmem:$0xAAF0] =	vst v0  }
0x66: {  	[tilespmem:$0xAB00] =	vst v0  }
0x67: {  	[tilespmem:$0xAB10] =	vst v0  }
0x68: {  	[tilespmem:$0xAB20] =	vst v0  }
0x69: {  	[tilespmem:$0xAB30] =	vst v0  }
0x6a: {  	[tilespmem:$0xAB40] =	vst v0  }
0x6b: {  	[tilespmem:$0xAB50] =	vst v0  }
0x6c: {  	[tilespmem:$0xAB60] =	vst v0  }
0x6d: {  	[tilespmem:$0xAB70] =	vst v0  }
0x6e: {  	[tilespmem:$0xAB80] =	vst v0  }
0x6f: {  	[tilespmem:$0xAB90] =	vst v0  }
0x70: {  	[tilespmem:$0xABA0] =	vst v0  }
0x71: {  	[tilespmem:$0xABB0] =	vst v0  }
0x72: {  	[tilespmem:$0xABC0] =	vst v0  }
0x73: {  	[tilespmem:$0xABD0] =	vst v0  }
0x74: {  	[tilespmem:$0xABE0] =	vst v0  }
0x75: {  	[tilespmem:$0xABF0] =	vst v0  }
0x76: {  	[tilespmem:$0xAC00] =	vst v0  }
0x77: {  	[tilespmem:$0xAC10] =	vst v0  }
0x78: {  	[tilespmem:$0xAC20] =	vst v0  }
0x79: {  	[tilespmem:$0xAC30] =	vst v0  }
0x7a: {  	[tilespmem:$0xAC40] =	vst v0  }
0x7b: {  	[tilespmem:$0xAC50] =	vst v0  }
0x7c: {  	[tilespmem:$0xAC60] =	vst v0  }
0x7d: {  	[tilespmem:$0xAC70] =	vst v0  }
0x7e: {  	[tilespmem:$0xAC80] =	vst v0  }
0x7f: {  	[tilespmem:$0xAC90] =	vst v0  }
0x80: {  	[tilespmem:$0xACA0] =	vst v0  }
0x81: {  	[tilespmem:$0xACB0] =	vst v0  }
0x82: {  	[tilespmem:$0xACC0] =	vst v0  }
0x83: {  	[tilespmem:$0xACD0] =	vst v0  }
0x84: {  	[tilespmem:$0xACE0] =	vst v0  }
0x85: {  	[tilespmem:$0xACF0] =	vst v0  }
0x86: {  	[tilespmem:$0xAD00] =	vst v0  }
0x87: {  	[tilespmem:$0xAD10] =	vst v0  }
0x88: {  	[tilespmem:$0xAD20] =	vst v0  }
0x89: {  	[tilespmem:$0xAD30] =	vst v0  }
0x8a: {  	[tilespmem:$0xAD40] =	vst v0  }
0x8b: {  	[tilespmem:$0xAD50] =	vst v0  }
0x8c: {  	[tilespmem:$0xAD60] =	vst v0  }
0x8d: {  	[tilespmem:$0xAD70] =	vst v0  }
0x8e: {  	[tilespmem:$0xAD80] =	vst v0  }
0x8f: {  	[tilespmem:$0xAD90] =	vst v0  }
0x90: {  	[tilespmem:$0xADA0] =	vst v0  }
0x91: {  	[tilespmem:$0xADB0] =	vst v0  }
0x92: {  	[tilespmem:$0xADC0] =	vst v0  }
0x93: {  	[tilespmem:$0xADD0] =	vst v0  }
0x94: {  	[tilespmem:$0xADE0] =	vst v0  }
0x95: {  	[tilespmem:$0xADF0] =	vst v0  }
0x96: {  	[tilespmem:$0xAE00] =	vst v0  }
0x97: {  	[tilespmem:$0xAE10] =	vst v0  }
0x98: {  	[tilespmem:$0xAE20] =	vst v0  }
0x99: {  	[tilespmem:$0xAE30] =	vst v0  }
0x9a: {  	[tilespmem:$0xAE40] =	vst v0  }
0x9b: {  	[tilespmem:$0xAE50] =	vst v0  }
0x9c: {  	[tilespmem:$0xAE60] =	vst v0  }
0x9d: {  	[tilespmem:$0xAE70] =	vst v0  }
0x9e: {  	[tilespmem:$0xAE80] =	vst v0  }
0x9f: {  	[tilespmem:$0xAE90] =	vst v0  }
0xa0: {  	[tilespmem:$0xAEA0] =	vst v0  }
0xa1: {  	[tilespmem:$0xAEB0] =	vst v0  }
0xa2: {  	[tilespmem:$0xAEC0] =	vst v0  }
0xa3: {  	[tilespmem:$0xAED0] =	vst v0  }
0xa4: {  	[tilespmem:$0xAEE0] =	vst v0  }
0xa5: {  	[tilespmem:$0xAEF0] =	vst v0  }
0xa6: {  	[tilespmem:$0xAF00] =	vst v0  }
0xa7: {  	[tilespmem:$0xAF10] =	vst v0  }
0xa8: {  	[tilespmem:$0xAF20] =	vst v0  }
.Ltmp2:
0xa9: {  	[tilespmem:$0xAF30] =	vst v0;
	(pc) =	sbr.rel @!p0 .LBB2_2-.Ltmp2, $4  }
0xaa: {  	[tilespmem:$0xAF40] =	vst v0  }
0xab: {  	[tilespmem:$0xAF50] =	vst v0  }
0xac: {  	[tilespmem:$0xAF60] =	vst v0  }
0xad: {  	[tilespmem:$0xAF70] =	vst v0  }
0xae: {  	s0 =	simm.s32 $0x2000;
	s28 =	sadd.s32 $0x0, s6  }
.LBB2_4:
0xaf: {  	[spmem:s28] =	stream.linear.scatter [tilespmem:s19], [sflag:$0x1], $0x800, $0x38;
	[tilespmem:$0x1E800] =	vst v63  }
0xb0: {  	s28 =	smov.u32 s0;
	p3 =	sne.s32 s0, $0x7A000  }
.Ltmp3:
0xb1: {  	s0 =	sadd.s32 $0x2000, s0;
	(pc) =	sbr.rel @p3 .LBB2_4-.Ltmp3, $3  }
0xb2: {  	_ =	sdelay $0x1  }
0xb3: {  	s28 =	sshra.s32 s28, $0x2  }
0xb4: {  	s28 =	sadd.s32 s28, s6  }
0xb5: {  	[spmem:s28] =	stream.linear.scatter [tilespmem:s19], [sflag:$0x1], $0x800, $0x38;
	[tilespmem:$0x1E800] =	vst v63  }
0xb6: {  	s0 =	rddreg [dreg:$0x5]  }
0xb7: {  	[spmem:s0] =	stream.linear.scatter [tilespmem:s19], [sflag:$0x1], $0x400, $0x38;
	[tilespmem:$0x1E800] =	vst v63  }
0xb8: {  	_ =	swait.ge [sflag:s20], $0x800  }
0xb9: {  	s0 =	simm.s32 $0x3D;
	[sflag:s20] =	ssyncset.done $0x0  }
.LBB2_6:
0xba: {  	p3 =	sne.s32 s0, $0x1;
	s0 =	sadd.s32 $0xFFFFFFFF, s0;
	[sflag:s20] =	ssyncadd.s32 $0xFFFFF800  }
.Ltmp4:
0xbb: {  	(pc) =	sbr.rel @p3 .LBB2_6-.Ltmp4, $3  }
0xbc: {  	_ =	sdelay $0x1  }
0xbd: {  	_ =	swait.ge [sflag:s20], $0x800  }
0xbe: {  	[sflag:s20] =	ssyncset.done $0x0  }
0xbf: {  	[sflag:s20] =	ssyncadd.s32 $0xFFFFF800  }
0xc0: {  	_ =	swait.ge [sflag:s20], $0x400  }
0xc1: {  	[sflag:s20] =	ssyncset.done $0x0  }
0xc2: {  	[sflag:s20] =	ssyncadd.s32 $0xFFFFFC00  }
0xc3: {  	_ =	swait.ge [sflag:s21], $0x2700  }
0xc4: {  	[sflag:s21] =	ssyncset.done $0x0  }
0xc5: {  	s0 =	simm.s32 @!p1 $0x0;
	s28 =	simm.s32 @!p1 $0x2700;
	[sflag:s21] =	ssyncadd.s32 $0xFFFFD900  }
0xc6: {  	[tilespmem:s28], [sflag:$0x3] =	stream.linear.gather @!p1 [hbm4b:s8+s0], $0x80, $0x38;
	[tilespmem:$0x1E800] =	vst v63  }
.Ltmp5:
0xc7: {  	_ = 	snop;
	(pc) =	sbr.rel .LBB2_8-.Ltmp5, $4  }
0xc8: {  	s0 =	simm.s32 @!p1 $0x3  }
0xc9: {  	_ =	swait.ge @!p1 [sflag:s0], $0x80  }
0xca: {  	[sflag:s0] =	ssyncset.done @!p1 $0x0  }
0xcb: {  	[sflag:s0] =	ssyncadd.s32 @!p1 $0xFFFFFF80  }
.LBB2_2:
0xcc: {  	_ =	swait.ge [sflag:s21], $0x2700  }
0xcd: {  	[sflag:s21] =	ssyncset.done $0x0  }
0xce: {  	[sflag:s21] =	ssyncadd.s32 $0xFFFFD900  }
.LBB2_8:
0xcf: {  	[bflag:$0x0] =	sbarrier.arrive $0xFFFF;
	s0 =	simm.s32 $0x0  }
0xd0: {  	[tilespmem:s22], [sflag:$0x1] =	stream.linear.gather [hbm4b:s9+s0], $0x4000, $0x38;
	[tilespmem:$0x1E800] =	vst v63  }
0xd1: {  	s28 =	sadd.s32 $0x800, s15  }
0xd2: {  	[tilespmem:s23], [sflag:$0x2] =	stream.linear.gather [hbm4b:s28+s4], $0x4000, $0x38;
	[tilespmem:$0x1E800] =	vst v63  }
0xd3: {  	_ =	swait.ge [sflag:s20], $0x4000  }
0xd4: {  	[sflag:s20] =	ssyncset.done $0x0  }
0xd5: {  	[sflag:s20] =	ssyncadd.s32 $0xFFFFC000  }
0xd6: {  	[spmem:s2] =	stream.indirect.scatter.add.f32 [tilespmem:s22], [sflag:$0x3], $0x80, s0, s17, $0xb8;
	[tilespmem:$0x1E800] =	vst v63  }
0xd7: {  	_ =	swait.ge [sflag:s24], $0x4000  }
0xd8: {  	s3 =	sshrl.u32 s16, $0x3;
	[sflag:s24] =	ssyncset.done $0x0  }
0xd9: {  	s0 =	sadd.s32 s1, s3;
	[sflag:s24] =	ssyncadd.s32 $0xFFFFC000  }
0xda: {  	[tilespmem:s22], [sflag:$0x1] =	stream.linear.gather [hbm4b:s0+s4], $0x4000, $0x38;
	[tilespmem:$0x1E800] =	vst v63  }
0xdb: {  	_ =	swait.ge [sflag:s21], $0x4000  }
0xdc: {  	[sflag:s21] =	ssyncset.done $0x0  }
0xdd: {  	s7 =	simm.s32 $0x80;
	[sflag:s21] =	ssyncadd.s32 $0xFFFFC000  }
0xde: {  	[spmem:s2] =	stream.indirect.scatter.add.f32 [tilespmem:s23], [sflag:$0x3], $0x80, s7, s17, $0xb8;
	[tilespmem:$0x1E800] =	vst v63  }
0xdf: {  	s30 =	simm.s32 $0x100;
	s31 =	sadd.s32 $0x8000, s16;
	_ =	swait.ge [sflag:s24], $0x4000  }
0xe0: {  	s28 =	simm.s32 $0x2800;
	s0 =	simm.s32 $0x1800;
	[sflag:s24] =	ssyncset.done $0x0  }
.LBB2_9:
0xe1: {  	s3 =	sadd.s32 s0, s15  }
0xe2: {  	[sflag:s24] =	ssyncadd.s32 $0xFFFFC000;
	s0 =	smov.u32 s28;
	s7 =	sadd.s32 $0x1000, s28  }
0xe3: {  	[tilespmem:s23], [sflag:$0x2] =	stream.linear.gather [hbm4b:s3+s4], $0x4000, $0x38;
	[tilespmem:$0x1E800] =	vst v63  }
0xe4: {  	p3 =	sne.s32 s28, $0x25800;
	_ =	swait.ge [sflag:s20], $0x4000  }
0xe5: {  	[sflag:s20] =	ssyncset.done $0x0  }
0xe6: {  	[sflag:s20] =	ssyncadd.s32 $0xFFFFC000  }
0xe7: {  	[spmem:s2] =	stream.indirect.scatter.add.f32 [tilespmem:s22], [sflag:$0x3], $0x80, s30, s17, $0xb8;
	[tilespmem:$0x1E800] =	vst v63  }
0xe8: {  	_ =	swait.ge [sflag:s24], $0x4000  }
0xe9: {  	s3 =	sshrl.u32 s31, $0x3;
	[sflag:s24] =	ssyncset.done $0x0  }
0xea: {  	s3 =	sadd.s32 s1, s3;
	[sflag:s24] =	ssyncadd.s32 $0xFFFFC000  }
0xeb: {  	[tilespmem:s22], [sflag:$0x1] =	stream.linear.gather [hbm4b:s3+s4], $0x4000, $0x38;
	[tilespmem:$0x1E800] =	vst v63  }
0xec: {  	_ =	swait.ge [sflag:s21], $0x4000  }
.Ltmp6:
0xed: {  	[sflag:s21] =	ssyncset.done $0x0;
	(pc) =	sbr.rel @p3 .LBB2_9-.Ltmp6, $4  }
0xee: {  	s3 =	sadd.s32 $0x80, s30;
	[sflag:s21] =	ssyncadd.s32 $0xFFFFC000  }
0xef: {  	[spmem:s2] =	stream.indirect.scatter.add.f32 [tilespmem:s23], [sflag:$0x3], $0x80, s3, s17, $0xb8;
	[tilespmem:$0x1E800] =	vst v63  }
0xf0: {  	s31 =	sadd.s32 $0x8000, s31;
	_ =	swait.ge [sflag:s24], $0x4000  }
0xf1: {  	s28 =	smov.u32 s7;
	s30 =	sadd.s32 $0x100, s30;
	[sflag:s24] =	ssyncset.done $0x0  }
0xf2: {  	s0 =	sadd.s32 s0, s15;
	[sflag:s24] =	ssyncadd.s32 $0xFFFFC000  }
0xf3: {  	[tilespmem:s23], [sflag:$0x2] =	stream.linear.gather [hbm4b:s0+s4], $0x4000, $0x38;
	[tilespmem:$0x1E800] =	vst v63  }
0xf4: {  	_ =	swait.ge [sflag:s20], $0x4000  }
0xf5: {  	[sflag:s20] =	ssyncset.done $0x0  }
0xf6: {  	[sflag:s20] =	ssyncadd.s32 $0xFFFFC000  }
0xf7: {  	[spmem:s2] =	stream.indirect.scatter.add.f32 [tilespmem:s22], [sflag:$0x3], $0x80, s30, s17, $0xb8;
	[tilespmem:$0x1E800] =	vst v63  }
0xf8: {  	_ =	swait.ge [sflag:s24], $0x4000  }
0xf9: {  	s28 =	sshrl.u32 s31, $0x3;
	[sflag:s24] =	ssyncset.done $0x0  }
0xfa: {  	s0 =	sadd.s32 s1, s28;
	[sflag:s24] =	ssyncadd.s32 $0xFFFFC000  }
0xfb: {  	[tilespmem:s22], [sflag:$0x1] =	stream.linear.gather [hbm4b:s0+s4], $0x4000, $0x38;
	[tilespmem:$0x1E800] =	vst v63  }
0xfc: {  	_ =	swait.ge [sflag:s21], $0x4000  }
0xfd: {  	[sflag:s21] =	ssyncset.done $0x0  }
0xfe: {  	s31 =	sadd.s32 $0x80, s30;
	[sflag:s21] =	ssyncadd.s32 $0xFFFFC000  }
0xff: {  	[spmem:s2] =	stream.indirect.scatter.add.f32 [tilespmem:s23], [sflag:$0x3], $0x80, s31, s17, $0xb8;
	[tilespmem:$0x1E800] =	vst v63  }
0x100: {  	_ =	swait.ge [sflag:s24], $0x4000  }
0x101: {  	[sflag:s24] =	ssyncset.done $0x0  }
0x102: {  	[sflag:s24] =	ssyncadd.s32 $0xFFFFC000  }
0x103: {  	[tilespmem:s23], [sflag:$0x2] =	stream.linear.gather [hbm4b:s13+s4], $0x4000, $0x38;
	[tilespmem:$0x1E800] =	vst v63  }
0x104: {  	_ =	swait.ge [sflag:s20], $0x4000  }
0x105: {  	[sflag:s20] =	ssyncset.done $0x0  }
0x106: {  	[sflag:s20] =	ssyncadd.s32 $0xFFFFC000  }
0x107: {  	[spmem:s2] =	stream.indirect.scatter.add.f32 [tilespmem:s22], [sflag:$0x3], $0x80, s25, s17, $0xb8;
	[tilespmem:$0x1E800] =	vst v63  }
0x108: {  	_ =	swait.ge [sflag:s24], $0x4000  }
0x109: {  	[sflag:s24] =	ssyncset.done $0x0  }
0x10a: {  	[sflag:s24] =	ssyncadd.s32 $0xFFFFC000  }
0x10b: {  	[tilespmem:s22], [sflag:$0x1] =	stream.linear.gather [hbm4b:s14+s4], $0x4000, $0x38;
	[tilespmem:$0x1E800] =	vst v63  }
0x10c: {  	_ =	swait.ge [sflag:s21], $0x4000  }
0x10d: {  	[sflag:s21] =	ssyncset.done $0x0  }
0x10e: {  	[sflag:s21] =	ssyncadd.s32 $0xFFFFC000  }
0x10f: {  	[spmem:s2] =	stream.indirect.scatter.add.f32 [tilespmem:s23], [sflag:$0x3], $0x80, s26, s17, $0xb8;
	[tilespmem:$0x1E800] =	vst v63  }
0x110: {  	_ =	swait.ge [sflag:s24], $0x4000  }
.Ltmp7:
0x111: {  	[sflag:s24] =	ssyncset.done $0x0;
	(pc) =	sbr.rel @!p1 .LBB2_11-.Ltmp7, $4  }
0x112: {  	[sflag:s24] =	ssyncadd.s32 $0xFFFFC000  }
0x113: {  	_ =	swait.ge [sflag:s20], $0x4000  }
0x114: {  	[sflag:s20] =	ssyncset.done $0x0  }
0x115: {  	[sflag:s20] =	ssyncadd.s32 $0xFFFFC000  }
.Ltmp8:
0x116: {  	(pc) =	sbr.rel @p2 .LBB2_14-.Ltmp8, $4  }
.Ltmp9:
0x117: {  	(pc) =	sbr.rel @!p2 .LBB2_13-.Ltmp9, $4  }
0x118: {  	_ = 	snop  }
0x119: {  	[bflag:$0x0] =	sbarrier.arrive $0xFFFF  }
0x11a: {  	_ = 	snop  }
0x11b: {  	_ = 	snop  }
.LBB2_15:
0x11c: {  	_ =	sfence.sel $0x180000  }
0x11d: {  	[bflag:$0x0] =	sbarrier.arrive $0xFFFF  }
0x11e: {  	_ =	strace $0x90000047  }
0x11f: {  	s0 =	stileid.u32;
	[bflag:$0x2] =	sbarrier.arrive $0xFFFF  }
0x120: {  	p0 =	sne.s32 s0, $0x0;
	s0 =	rddreg [dreg:$0x4]  }
0x121: {  	s0 =	sadd.s32 @!p0 $0x100000, s0  }
0x122: {  	[sflag:s0] =	ssyncadd.tile.s32 @!p0 $0x1;
	_ =	shalt  }
.Lfunc_end2:
_tile_overlayer_lowered:
.L_overlay_start_2:
0x123: {  	(tag) =	ssettag $0x2  }
0x124: {  	s0 =	rddreg [dreg:$0x0];
	s2 =	stileid.u32  }
0x125: {  	s1 =	rddreg [dreg:$0x1];
	p0 =	sne.s32 s2, $0x0  }
0x126: {  	s3 =	rddreg [dreg:$0x2];
	[bflag:$0x3] =	sbarrier.arrive $0xFFFF;
	s2 =	simm.s32 @!p0 $0x1C03  }
0x127: {  	[timem:s3], [sflag:s2] =	dma.local @!p0 [hbm:s0], s1  }
0x128: {  	s0 =	simm.s32 @!p0 $0x3  }
0x129: {  	_ =	swait.ge @!p0 [sflag:s0], s1  }
0x12a: {  	s1 =	ssub.s32 @!p0 $0x0, s1;
	[sflag:s0] =	ssyncset.done @!p0 $0x0  }
0x12b: {  	[sflag:s0] =	ssyncadd.s32 @!p0 s1  }
0x12c: {  	[bflag:$0x3] =	sbarrier.arrive $0xFFFF  }
0x12d: {  	_ =	shalt  }

</sc_bundles>
